<compile_context>
chip_gen: v7x
topology: tpu7x:2x2x1
jax: 0.10.2.dev20260603
libtpu: 0.0.44.dev20260713+nightly
codegen_flags: <defaults>
</compile_context>

<pallas_src>
import functools

import jax
import jax.numpy as jnp
from jax import lax
from jax.experimental import pallas as pl
from jax.experimental.pallas import tpu as pltpu
from jax.experimental.pallas import tpu_sc as plsc

C, H, W = 256, 200, 304
HW = H * W
RP = 1024
KP = 200
FC = 1024
NCLS = 80
NWORK = 32
BPW = RP // NWORK
KB = 896
NKB = 14


def _prep_body(prop_ref, boxes_ref, idx_ref, wa_ref, wb_ref):
    prop = prop_ref[:, :]
    cx = prop[:, 0:1] * (W - 1.0)
    cy = prop[:, 1:2] * (H - 1.0)
    bw = prop[:, 2:3] * 60.0 + 4.0
    bh = prop[:, 3:4] * 60.0 + 4.0
    x1 = jnp.clip(cx - bw / 2, 0.0, W - 1.0)
    y1 = jnp.clip(cy - bh / 2, 0.0, H - 1.0)
    x2 = jnp.clip(cx + bw / 2, 0.0, W - 1.0)
    y2 = jnp.clip(cy + bh / 2, 0.0, H - 1.0)
    bwe = jnp.maximum(x2 - x1, 1.0)
    bhe = jnp.maximum(y2 - y1, 1.0)
    p49 = jnp.arange(49)
    gx = (((p49 % 7).astype(jnp.float32) + 0.5) / 7.0)[None, :]
    gy = (((p49 // 7).astype(jnp.float32) + 0.5) / 7.0)[None, :]
    xs = x1 + gx * bwe
    ys = y1 + gy * bhe
    x0 = jnp.clip(jnp.floor(xs).astype(jnp.int32), 0, W - 2)
    y0 = jnp.clip(jnp.floor(ys).astype(jnp.int32), 0, H - 2)
    fx = xs - x0.astype(jnp.float32)
    fy = ys - y0.astype(jnp.float32)
    base = y0 * W + x0
    z1 = jnp.zeros((RP, 1), jnp.int32)
    idx_ref[:, :] = jnp.concatenate(
        [base, z1, base + 1, z1, base + W, z1, base + W + 1, z1], axis=1)
    zf = jnp.zeros((RP, 1), jnp.float32)
    wa_ref[:, :] = jnp.concatenate(
        [1 - fy, zf, 1 - fy, zf, fy, zf, fy, zf], axis=1)
    wb_ref[:, :] = jnp.concatenate(
        [1 - fx, zf, fx, zf, 1 - fx, zf, fx, zf], axis=1)
    boxes_ref[:, :] = jnp.concatenate([x1, y1, x2, y2], axis=1)


_prep = pl.pallas_call(
    _prep_body,
    out_shape=(
        jax.ShapeDtypeStruct((RP, 4), jnp.float32),
        jax.ShapeDtypeStruct((RP, KP), jnp.int32),
        jax.ShapeDtypeStruct((RP, KP), jnp.float32),
        jax.ShapeDtypeStruct((RP, KP), jnp.float32),
    ),
)


@functools.partial(
    pl.kernel,
    mesh=plsc.VectorSubcoreMesh(core_axis_name="c", subcore_axis_name="s"),
    out_type=jax.ShapeDtypeStruct((RP, 49 * C), jnp.float32),
    scratch_types=[
        pltpu.VMEM((KP,), jnp.int32),
        pltpu.VMEM((KP, C), jnp.float32),
        pltpu.VMEM((KP * 16,), jnp.float32),
        pltpu.VMEM((KP * 16,), jnp.float32),
        pltpu.VMEM((49 * C,), jnp.float32),
        pltpu.SemaphoreType.DMA,
    ],
)
def _sc_pool(fmap_hbm, idx_hbm, wa_hbm, wb_hbm, out_hbm, idx_v, rows_v,
             wa_v, wb_v, pool_v, sem):
    wid = lax.axis_index("s") * 2 + lax.axis_index("c")

    def per_box(t, carry):
        b = wid * BPW + t
        pltpu.sync_copy(idx_hbm.at[b], idx_v)
        pltpu.sync_copy(wa_hbm.at[b], wa_v)
        pltpu.sync_copy(wb_hbm.at[b], wb_v)
        cp0 = pltpu.async_copy(fmap_hbm.at[idx_v.at[pl.ds(0, 128)]],
                               rows_v.at[pl.ds(0, 128)], sem)
        cp1 = pltpu.async_copy(fmap_hbm.at[idx_v.at[pl.ds(128, 72)]],
                               rows_v.at[pl.ds(128, 72)], sem)
        cp0.wait()
        cp1.wait()

        def per_point(p, c2):
            a0 = wa_v[pl.ds(p * 16, 16)]
            a1 = wa_v[pl.ds((50 + p) * 16, 16)]
            a2 = wa_v[pl.ds((100 + p) * 16, 16)]
            a3 = wa_v[pl.ds((150 + p) * 16, 16)]
            b0 = wb_v[pl.ds(p * 16, 16)]
            b1 = wb_v[pl.ds((50 + p) * 16, 16)]
            b2 = wb_v[pl.ds((100 + p) * 16, 16)]
            b3 = wb_v[pl.ds((150 + p) * 16, 16)]

            def per_chunk(ci, c3):
                s = pl.ds(ci * 16, 16)
                t = (rows_v[p, s] * a0) * b0
                t = t + (rows_v[50 + p, s] * a1) * b1
                t = t + (rows_v[100 + p, s] * a2) * b2
                t = t + (rows_v[150 + p, s] * a3) * b3
                pool_v[pl.ds(p * C + ci * 16, 16)] = t
                return c3

            return lax.fori_loop(0, 16, per_chunk, c2)

        lax.fori_loop(0, 49, per_point, 0)
        pltpu.sync_copy(pool_v, out_hbm.at[b])
        return carry

    lax.fori_loop(0, BPW, per_box, 0)


def _fc1_body(pooled_ref, w1_ref, b1_ref, out_ref):
    k = pl.program_id(0)
    part = jnp.dot(pooled_ref[:, :], w1_ref[:, :],
                   preferred_element_type=jnp.float32)

    @pl.when(k == 0)
    def _():
        out_ref[:, :] = part

    @pl.when(k > 0)
    def _():
        out_ref[:, :] += part

    @pl.when(k == NKB - 1)
    def _():
        out_ref[:, :] = jnp.maximum(out_ref[:, :] + b1_ref[:, :], 0.0)


_fc1 = pl.pallas_call(
    _fc1_body,
    grid=(NKB,),
    in_specs=[
        pl.BlockSpec((RP, KB), lambda k: (0, k)),
        pl.BlockSpec((KB, FC), lambda k: (k, 0)),
        pl.BlockSpec((1, FC), lambda k: (0, 0)),
    ],
    out_specs=pl.BlockSpec((RP, FC), lambda k: (0, 0)),
    out_shape=jax.ShapeDtypeStruct((RP, FC), jnp.float32),
)


def _head_body(h1_ref, w2_ref, b2_ref, wc_ref, bc_ref, wr_ref, br_ref,
               boxes_ref, out_ref, msup_ref):
    h2 = jnp.maximum(
        jnp.dot(h1_ref[:, :], w2_ref[:, :],
                preferred_element_type=jnp.float32) + b2_ref[:, :], 0.0)
    logits = jnp.dot(h2, wc_ref[:, :],
                     preferred_element_type=jnp.float32) + bc_ref[:, :]
    m = jnp.max(logits, axis=1, keepdims=True)
    e = jnp.exp(logits - m)
    zden = jnp.sum(e, axis=1, keepdims=True)
    probs = e / zden
    lane = lax.broadcasted_iota(jnp.int32, (1, 128), 1)
    fg = jnp.where(lane < NCLS, probs, -1.0)
    mfg = jnp.max(fg, axis=1, keepdims=True)
    clsid = jnp.min(jnp.where(fg == mfg, lane, 10000), axis=1, keepdims=True)
    onehot = (lane == clsid).astype(jnp.float32)
    sc = jnp.sum(onehot * probs, axis=1, keepdims=True)
    reg = jnp.dot(h2, wr_ref[:, :],
                  preferred_element_type=jnp.float32) + br_ref[:, :]
    d0 = jnp.sum(onehot * reg[:, 0:128], axis=1, keepdims=True)
    d1 = jnp.sum(onehot * reg[:, 128:256], axis=1, keepdims=True)
    d2 = jnp.sum(onehot * reg[:, 256:384], axis=1, keepdims=True)
    d3 = jnp.sum(onehot * reg[:, 384:512], axis=1, keepdims=True)
    boxes = boxes_ref[:, :]
    widths = boxes[:, 2:3] - boxes[:, 0:1]
    heights = boxes[:, 3:4] - boxes[:, 1:2]
    ctr_x = boxes[:, 0:1] + 0.5 * widths
    ctr_y = boxes[:, 1:2] + 0.5 * heights
    dx = d0 / 10.0
    dy = d1 / 10.0
    dw = jnp.clip(d2 / 5.0, -4.0, 4.0)
    dh = jnp.clip(d3 / 5.0, -4.0, 4.0)
    pcx = dx * widths + ctr_x
    pcy = dy * heights + ctr_y
    pw = jnp.exp(dw) * widths
    ph = jnp.exp(dh) * heights
    px1 = jnp.clip(pcx - 0.5 * pw, 0.0, 303.0)
    py1 = jnp.clip(pcy - 0.5 * ph, 0.0, 303.0)
    px2 = jnp.clip(pcx + 0.5 * pw, 0.0, 303.0)
    py2 = jnp.clip(pcy + 0.5 * ph, 0.0, 303.0)
    rowi = lax.broadcasted_iota(jnp.int32, (RP, 1), 0)
    sc = jnp.where(sc > 0.05, sc, 0.0)
    sc = jnp.where(rowi < 1000, sc, -1.0)

    coli = lax.broadcasted_iota(jnp.int32, (RP, RP), 0)
    rowj = lax.broadcasted_iota(jnp.int32, (RP, RP), 1)

    X = jnp.concatenate(
        [px1, py1, px2, py2, sc, jnp.zeros((RP, 3), jnp.float32)], axis=1)
    XT = jnp.transpose(X)
    sc_row = XT[4:5, :]
    gt = (sc_row > sc).astype(jnp.float32)
    tie = ((sc_row == sc) & (rowj < coli)).astype(jnp.float32)
    rank = jnp.sum(gt + tie, axis=1, keepdims=True)
    rank_row = jnp.transpose(rank)
    ept = (coli.astype(jnp.float32) == rank_row).astype(jnp.float32)
    SX = jnp.dot(ept, X, preferred_element_type=jnp.float32)
    XTe = jnp.transpose(jnp.concatenate([px1, py1, px2, py2], axis=1))
    areas = (px2 - px1) * (py2 - py1)
    xx1 = jnp.maximum(px1, XTe[0:1, :])
    yy1 = jnp.maximum(py1, XTe[1:2, :])
    xx2 = jnp.minimum(px2, XTe[2:3, :])
    yy2 = jnp.minimum(py2, XTe[3:4, :])
    inter = jnp.maximum(xx2 - xx1, 0.0) * jnp.maximum(yy2 - yy1, 0.0)
    areas_row = (XTe[2:3, :] - XTe[0:1, :]) * (XTe[3:4, :] - XTe[1:2, :])
    iou = inter / (areas + areas_row - inter + 1e-9)
    rank_gt = rank_row > rank
    msup_orig = ((iou > 0.5) & rank_gt).astype(jnp.float32)
    er = (rank == rowj.astype(jnp.float32)).astype(jnp.float32)
    msup_ref[:, :] = jnp.dot(
        jnp.dot(ept, msup_orig, preferred_element_type=jnp.float32), er,
        preferred_element_type=jnp.float32)

    rowj1 = lax.broadcasted_iota(jnp.int32, (1, RP), 1)

    def nms_body(i, keep):
        ki = jnp.sum(keep * (rowj1 == i).astype(jnp.float32))
        mrow = msup_ref[pl.ds(i, 1), :]
        return keep * (1.0 - ki * mrow)

    keep = lax.fori_loop(0, 1000, nms_body, jnp.ones((1, RP), jnp.float32))

    realpos = (rowj1 < 1000).astype(jnp.float32)
    k1 = keep * realpos
    k2 = (1.0 - keep) * realpos
    upper = (coli < rowj).astype(jnp.float32)
    pfx1 = jnp.dot(k1, upper, preferred_element_type=jnp.float32)
    pfx2 = jnp.dot(k2, upper, preferred_element_type=jnp.float32)
    n1 = jnp.sum(k1)
    slot = jnp.where(k1 > 0, pfx1, jnp.where(k2 > 0, n1 + pfx2, 1e9))
    t128 = lax.broadcasted_iota(jnp.int32, (128, 1), 0).astype(jnp.float32)
    ssel = (t128 == slot).astype(jnp.float32)
    out_ref[:, :] = jnp.dot(ssel, SX, preferred_element_type=jnp.float32)


_head = pl.pallas_call(
    _head_body,
    out_shape=jax.ShapeDtypeStruct((128, 8), jnp.float32),
    scratch_shapes=[pltpu.VMEM((RP, RP), jnp.float32)],
)


def kernel(features, proposals, W1, b1, W2, b2, W_cls, b_cls, W_reg, b_reg):
    prop = jnp.pad(proposals, ((0, RP - proposals.shape[0]), (0, 0)))
    fmapT = features.reshape(C, HW).T
    boxes, idx, wa, wb = _prep(prop)
    wae = jnp.broadcast_to(wa[:, :, None], (RP, KP, 16)).reshape(RP, KP * 16)
    wbe = jnp.broadcast_to(wb[:, :, None], (RP, KP, 16)).reshape(RP, KP * 16)
    pooled = _sc_pool(fmapT, idx, wae, wbe)
    h1 = _fc1(pooled, W1, b1.reshape(1, FC))
    Wc = jnp.pad(W_cls, ((0, 0), (0, 128 - 81)))
    bc = jnp.pad(b_cls, (0, 128 - 81), constant_values=-1e30).reshape(1, 128)
    Wr = jnp.pad(W_reg.reshape(FC, NCLS, 4).transpose(0, 2, 1),
                 ((0, 0), (0, 0), (0, 48))).reshape(FC, 512)
    br = jnp.pad(b_reg.reshape(NCLS, 4).T, ((0, 0), (0, 48))).reshape(1, 512)
    out = _head(h1, W2, b2.reshape(1, FC), Wc, bc, Wr, br, boxes)
    return out[:100, :5]

# --- scband reference (transcript-rebuilt; emitter-appended) ---
"""Pipeline reference for scband-standard-roiheads-1898375545648 (READ-ONLY COPY).

The authoritative reference and input builder live on the scoring server;
editing this copy changes nothing except your own understanding.
"""

import jax, jax.numpy as jnp
import numpy as np
from jax import lax

C, H, W = 256, 200, 304
R = 1000
POOL = 7
FC = 1024
NUM_CLASSES = 80
SCORE_TH = 0.05
NMS_TH = 0.5
TOPK = 100


def setup_inputs(seed: int = 0):
    key = jax.random.key(seed)
    ks = jax.random.split(key, 8)
    d = C * POOL * POOL
    return {
        "features": jax.random.normal(ks[0], (C, H, W), dtype=jnp.float32),
        "proposals": jax.random.uniform(ks[1], (R, 4), dtype=jnp.float32),
        "W1": jax.random.normal(ks[2], (d, FC), dtype=jnp.float32) * 0.01,
        "b1": jnp.zeros((FC,), jnp.float32),
        "W2": jax.random.normal(ks[3], (FC, FC), dtype=jnp.float32) * 0.05,
        "b2": jnp.zeros((FC,), jnp.float32),
        "W_cls": jax.random.normal(ks[4], (FC, NUM_CLASSES + 1), dtype=jnp.float32) * 0.3,
        "b_cls": jnp.zeros((NUM_CLASSES + 1,), jnp.float32),
        "W_reg": jax.random.normal(ks[5], (FC, NUM_CLASSES * 4), dtype=jnp.float32) * 0.01,
        "b_reg": jnp.zeros((NUM_CLASSES * 4,), jnp.float32),
    }


def _decode_proposals(raw):
    cx = raw[:, 0] * (W - 1)
    cy = raw[:, 1] * (H - 1)
    bw = raw[:, 2] * 60.0 + 4.0
    bh = raw[:, 3] * 60.0 + 4.0
    x1 = jnp.clip(cx - bw / 2, 0.0, W - 1.0)
    y1 = jnp.clip(cy - bh / 2, 0.0, H - 1.0)
    x2 = jnp.clip(cx + bw / 2, 0.0, W - 1.0)
    y2 = jnp.clip(cy + bh / 2, 0.0, H - 1.0)
    return jnp.stack([x1, y1, x2, y2], axis=1)


def _roi_align(feat, boxes):
    x1, y1, x2, y2 = boxes[:, 0], boxes[:, 1], boxes[:, 2], boxes[:, 3]
    bw = jnp.maximum(x2 - x1, 1.0)
    bh = jnp.maximum(y2 - y1, 1.0)
    g = (jnp.arange(POOL, dtype=jnp.float32) + 0.5) / POOL
    xs = x1[:, None] + g[None, :] * bw[:, None]
    ys = y1[:, None] + g[None, :] * bh[:, None]
    x0 = jnp.clip(jnp.floor(xs).astype(jnp.int32), 0, W - 2)
    y0 = jnp.clip(jnp.floor(ys).astype(jnp.int32), 0, H - 2)
    fx = xs - x0.astype(jnp.float32)
    fy = ys - y0.astype(jnp.float32)
    fmap = feat.reshape(C, H * W)

    def gather(yi, xi):
        idx = (yi[:, :, None] * W + xi[:, None, :]).reshape(-1)
        v = jnp.take(fmap, idx, axis=1)
        return v.T.reshape(R, POOL, POOL, C)

    v00 = gather(y0, x0)
    v01 = gather(y0, x0 + 1)
    v10 = gather(y0 + 1, x0)
    v11 = gather(y0 + 1, x0 + 1)
    wx = fx[:, None, :, None]
    wy = fy[:, :, None, None]
    out = v00 * (1 - wy) * (1 - wx) + v01 * (1 - wy) * wx + v10 * wy * (1 - wx) + v11 * wy * wx
    return out.reshape(R, POOL * POOL * C)


def _nms_keep(boxes, iou_th):
    n = boxes.shape[0]
    x1, y1, x2, y2 = boxes[:, 0], boxes[:, 1], boxes[:, 2], boxes[:, 3]
    areas = (x2 - x1) * (y2 - y1)
    ar = jnp.arange(n)

    def body(i, keep):
        xx1 = jnp.maximum(x1[i], x1)
        yy1 = jnp.maximum(y1[i], y1)
        xx2 = jnp.minimum(x2[i], x2)
        yy2 = jnp.minimum(y2[i], y2)
        inter = jnp.maximum(xx2 - xx1, 0.0) * jnp.maximum(yy2 - yy1, 0.0)
        iou = inter / (areas[i] + areas - inter + 1e-9)
        suppress = (iou > iou_th) & (ar > i)
        return jnp.where(keep[i], keep & (~suppress), keep)

    return lax.fori_loop(0, n, body, jnp.ones((n,), bool))


def reference(features, proposals, W1, b1, W2, b2, W_cls, b_cls, W_reg, b_reg):
    boxes = _decode_proposals(proposals)
    pooled = _roi_align(features, boxes)
    h = jax.nn.relu(pooled @ W1 + b1)
    h = jax.nn.relu(h @ W2 + b2)
    probs = jax.nn.softmax(h @ W_cls + b_cls, axis=-1)
    deltas = (h @ W_reg + b_reg).reshape(R, NUM_CLASSES, 4)
    fg = probs[:, :NUM_CLASSES]
    cls = jnp.argmax(fg, axis=1)
    sc = jnp.take_along_axis(fg, cls[:, None], axis=1)[:, 0]
    d = jnp.take_along_axis(deltas, cls[:, None, None], axis=1)[:, 0, :]
    widths = boxes[:, 2] - boxes[:, 0]
    heights = boxes[:, 3] - boxes[:, 1]
    ctr_x = boxes[:, 0] + 0.5 * widths
    ctr_y = boxes[:, 1] + 0.5 * heights
    dx = d[:, 0] / 10.0
    dy = d[:, 1] / 10.0
    dw = jnp.clip(d[:, 2] / 5.0, -4.0, 4.0)
    dh = jnp.clip(d[:, 3] / 5.0, -4.0, 4.0)
    pcx = dx * widths + ctr_x
    pcy = dy * heights + ctr_y
    pw = jnp.exp(dw) * widths
    ph = jnp.exp(dh) * heights
    pred = jnp.stack([pcx - 0.5 * pw, pcy - 0.5 * ph, pcx + 0.5 * pw, pcy + 0.5 * ph], axis=1)
    pred = jnp.clip(pred, 0.0, float(max(H, W) - 1))
    sc = jnp.where(sc > SCORE_TH, sc, 0.0)
    order = jnp.argsort(-sc)
    bs = pred[order]
    ss = sc[order]
    keep = _nms_keep(lax.stop_gradient(bs), NMS_TH)
    masked = jnp.where(keep, ss, -1.0)
    _, top_i = lax.top_k(masked, TOPK)
    out_boxes = bs[top_i]
    out_scores = ss[top_i]
    return jnp.concatenate([out_boxes, out_scores[:, None]], axis=1)

if __name__ == "__main__":
    import jax
    _d = setup_inputs()
    print(jax.jit(kernel)(*tuple(_d.values())))

</pallas_src>

<mosaic_0001>
#map = affine_map<(d0, d1) -> (0, 0)>
module attributes {stable_mosaic.version = 14 : i64} {
  func.func @_sc_pool(%arg0: i32, %arg1: i32, %arg2: memref<60800x256xf32, #tpu.memory_space<hbm>>, %arg3: memref<1024x200xi32, #tpu.memory_space<hbm>>, %arg4: memref<1024x3200xf32, #tpu.memory_space<hbm>>, %arg5: memref<1024x3200xf32, #tpu.memory_space<hbm>>, %arg6: memref<1024x12544xf32, #tpu.memory_space<hbm>>, %arg7: memref<200xi32, #tpu.memory_space<vmem>>, %arg8: memref<200x256xf32, #tpu.memory_space<vmem>>, %arg9: memref<3200xf32, #tpu.memory_space<vmem>>, %arg10: memref<3200xf32, #tpu.memory_space<vmem>>, %arg11: memref<12544xf32, #tpu.memory_space<vmem>>, %arg12: memref<!tpu.dma_semaphore, #tpu.memory_space<semaphore_mem>>) attributes {dimension_semantics = [#tpu.dimension_semantics<core_parallel>, #tpu.dimension_semantics<subcore_parallel>], iteration_bounds = array<i64: 2, 16>, scalar_prefetch = 0 : i64, scratch_operands = 6 : i64, tpu.core_type = #tpu.core_type<sc_vector_subcore>, window_params = [{transform_indices = #map}, {transform_indices = #map}, {transform_indices = #map}, {transform_indices = #map}, {transform_indices = #map}]} {
    %mul3A = arith.constant 2 : i32
    %mul3A_0 = arith.muli %arg1, %mul3A : i32
    %add3A = arith.addi %mul3A_0, %arg0 : i32
    %scan3A = arith.constant 0 : i32
    %scan3A_1 = arith.constant 0 : i32
    %scan3A_2 = arith.constant 32 : i32
    %scan3A_3 = arith.addi %scan3A_1, %scan3A_2 : i32
    %scan3A_4 = arith.constant 1 : i32
    scf.for %scan3A_6 = %scan3A_1 to %scan3A_3 step %scan3A_4  : i32 {
      %mul3A_7 = arith.constant 32 : i32
      %mul3A_8 = arith.muli %add3A, %mul3A_7 : i32
      %add3A_9 = arith.addi %mul3A_8, %scan3A_6 : i32
      "tpu.region"() ({
        %run_scoped3A = tpu.sem_alloc : memref<!tpu.dma_semaphore, #tpu.memory_space<semaphore_mem>>
        %dma_start3A_46 = arith.constant 0 : i32
        %dma_start3A_47 = tpu.memref_slice %arg3[%add3A_9, %dma_start3A_46] : memref<1024x200xi32, #tpu.memory_space<hbm>> -> memref<1x200xi32, #tpu.memory_space<hbm>>
        %dma_start3A_48 = tpu.memref_squeeze %dma_start3A_47 : memref<1x200xi32, #tpu.memory_space<hbm>> -> memref<200xi32, #tpu.memory_space<hbm>>
        %dma_start3A_49 = arith.constant 0 : i32
        %dma_start3A_50 = tpu.memref_slice %arg3[%add3A_9, %dma_start3A_49] : memref<1024x200xi32, #tpu.memory_space<hbm>> -> memref<1x200xi32, #tpu.memory_space<hbm>>
        %dma_start3A_51 = tpu.memref_squeeze %dma_start3A_50 : memref<1x200xi32, #tpu.memory_space<hbm>> -> memref<200xi32, #tpu.memory_space<hbm>>
        tpu.enqueue_dma source(%dma_start3A_51 : memref<200xi32, #tpu.memory_space<hbm>>) target(%arg7 : memref<200xi32, #tpu.memory_space<vmem>>) target_semaphore(%run_scoped3A : memref<!tpu.dma_semaphore, #tpu.memory_space<semaphore_mem>>)
        %dma_wait3A_52 = arith.constant 0 : i32
        %dma_wait3A_53 = tpu.memref_slice %arg3[%add3A_9, %dma_wait3A_52] : memref<1024x200xi32, #tpu.memory_space<hbm>> -> memref<1x200xi32, #tpu.memory_space<hbm>>
        %dma_wait3A_54 = tpu.memref_squeeze %dma_wait3A_53 : memref<1x200xi32, #tpu.memory_space<hbm>> -> memref<200xi32, #tpu.memory_space<hbm>>
        %dma_wait3A_55 = arith.constant 0 : i32
        %dma_wait3A_56 = tpu.memref_slice %arg3[%add3A_9, %dma_wait3A_55] : memref<1024x200xi32, #tpu.memory_space<hbm>> -> memref<1x200xi32, #tpu.memory_space<hbm>>
        %dma_wait3A_57 = tpu.memref_squeeze %dma_wait3A_56 : memref<1x200xi32, #tpu.memory_space<hbm>> -> memref<200xi32, #tpu.memory_space<hbm>>
        tpu.wait_dma2 semaphore(%run_scoped3A : memref<!tpu.dma_semaphore, #tpu.memory_space<semaphore_mem>>) src(%dma_wait3A_57 : memref<200xi32, #tpu.memory_space<hbm>>) dst(%arg7 : memref<200xi32, #tpu.memory_space<vmem>>)
        tpu.yield
      }) : () -> ()
      "tpu.region"() ({
        %run_scoped3A = tpu.sem_alloc : memref<!tpu.dma_semaphore, #tpu.memory_space<semaphore_mem>>
        %dma_start3A_46 = arith.constant 0 : i32
        %dma_start3A_47 = tpu.memref_slice %arg4[%add3A_9, %dma_start3A_46] : memref<1024x3200xf32, #tpu.memory_space<hbm>> -> memref<1x3200xf32, #tpu.memory_space<hbm>>
        %dma_start3A_48 = tpu.memref_squeeze %dma_start3A_47 : memref<1x3200xf32, #tpu.memory_space<hbm>> -> memref<3200xf32, #tpu.memory_space<hbm>>
        %dma_start3A_49 = arith.constant 0 : i32
        %dma_start3A_50 = tpu.memref_slice %arg4[%add3A_9, %dma_start3A_49] : memref<1024x3200xf32, #tpu.memory_space<hbm>> -> memref<1x3200xf32, #tpu.memory_space<hbm>>
        %dma_start3A_51 = tpu.memref_squeeze %dma_start3A_50 : memref<1x3200xf32, #tpu.memory_space<hbm>> -> memref<3200xf32, #tpu.memory_space<hbm>>
        tpu.enqueue_dma source(%dma_start3A_51 : memref<3200xf32, #tpu.memory_space<hbm>>) target(%arg9 : memref<3200xf32, #tpu.memory_space<vmem>>) target_semaphore(%run_scoped3A : memref<!tpu.dma_semaphore, #tpu.memory_space<semaphore_mem>>)
        %dma_wait3A_52 = arith.constant 0 : i32
        %dma_wait3A_53 = tpu.memref_slice %arg4[%add3A_9, %dma_wait3A_52] : memref<1024x3200xf32, #tpu.memory_space<hbm>> -> memref<1x3200xf32, #tpu.memory_space<hbm>>
        %dma_wait3A_54 = tpu.memref_squeeze %dma_wait3A_53 : memref<1x3200xf32, #tpu.memory_space<hbm>> -> memref<3200xf32, #tpu.memory_space<hbm>>
        %dma_wait3A_55 = arith.constant 0 : i32
        %dma_wait3A_56 = tpu.memref_slice %arg4[%add3A_9, %dma_wait3A_55] : memref<1024x3200xf32, #tpu.memory_space<hbm>> -> memref<1x3200xf32, #tpu.memory_space<hbm>>
        %dma_wait3A_57 = tpu.memref_squeeze %dma_wait3A_56 : memref<1x3200xf32, #tpu.memory_space<hbm>> -> memref<3200xf32, #tpu.memory_space<hbm>>
        tpu.wait_dma2 semaphore(%run_scoped3A : memref<!tpu.dma_semaphore, #tpu.memory_space<semaphore_mem>>) src(%dma_wait3A_57 : memref<3200xf32, #tpu.memory_space<hbm>>) dst(%arg9 : memref<3200xf32, #tpu.memory_space<vmem>>)
        tpu.yield
      }) : () -> ()
      "tpu.region"() ({
        %run_scoped3A = tpu.sem_alloc : memref<!tpu.dma_semaphore, #tpu.memory_space<semaphore_mem>>
        %dma_start3A_46 = arith.constant 0 : i32
        %dma_start3A_47 = tpu.memref_slice %arg5[%add3A_9, %dma_start3A_46] : memref<1024x3200xf32, #tpu.memory_space<hbm>> -> memref<1x3200xf32, #tpu.memory_space<hbm>>
        %dma_start3A_48 = tpu.memref_squeeze %dma_start3A_47 : memref<1x3200xf32, #tpu.memory_space<hbm>> -> memref<3200xf32, #tpu.memory_space<hbm>>
        %dma_start3A_49 = arith.constant 0 : i32
        %dma_start3A_50 = tpu.memref_slice %arg5[%add3A_9, %dma_start3A_49] : memref<1024x3200xf32, #tpu.memory_space<hbm>> -> memref<1x3200xf32, #tpu.memory_space<hbm>>
        %dma_start3A_51 = tpu.memref_squeeze %dma_start3A_50 : memref<1x3200xf32, #tpu.memory_space<hbm>> -> memref<3200xf32, #tpu.memory_space<hbm>>
        tpu.enqueue_dma source(%dma_start3A_51 : memref<3200xf32, #tpu.memory_space<hbm>>) target(%arg10 : memref<3200xf32, #tpu.memory_space<vmem>>) target_semaphore(%run_scoped3A : memref<!tpu.dma_semaphore, #tpu.memory_space<semaphore_mem>>)
        %dma_wait3A_52 = arith.constant 0 : i32
        %dma_wait3A_53 = tpu.memref_slice %arg5[%add3A_9, %dma_wait3A_52] : memref<1024x3200xf32, #tpu.memory_space<hbm>> -> memref<1x3200xf32, #tpu.memory_space<hbm>>
        %dma_wait3A_54 = tpu.memref_squeeze %dma_wait3A_53 : memref<1x3200xf32, #tpu.memory_space<hbm>> -> memref<3200xf32, #tpu.memory_space<hbm>>
        %dma_wait3A_55 = arith.constant 0 : i32
        %dma_wait3A_56 = tpu.memref_slice %arg5[%add3A_9, %dma_wait3A_55] : memref<1024x3200xf32, #tpu.memory_space<hbm>> -> memref<1x3200xf32, #tpu.memory_space<hbm>>
        %dma_wait3A_57 = tpu.memref_squeeze %dma_wait3A_56 : memref<1x3200xf32, #tpu.memory_space<hbm>> -> memref<3200xf32, #tpu.memory_space<hbm>>
        tpu.wait_dma2 semaphore(%run_scoped3A : memref<!tpu.dma_semaphore, #tpu.memory_space<semaphore_mem>>) src(%dma_wait3A_57 : memref<3200xf32, #tpu.memory_space<hbm>>) dst(%arg10 : memref<3200xf32, #tpu.memory_space<vmem>>)
        tpu.yield
      }) : () -> ()
      %dma_start3A = arith.constant 0 : i32
      %dma_start3A_10 = arith.constant 0 : i32
      %dma_start3A_11 = tpu.memref_slice %arg8[%dma_start3A, %dma_start3A_10] : memref<200x256xf32, #tpu.memory_space<vmem>> -> memref<128x256xf32, #tpu.memory_space<vmem>>
      %dma_start3A_12 = arith.constant 0 : i32
      %dma_start3A_13 = tpu.memref_slice %arg7[%dma_start3A_12] : memref<200xi32, #tpu.memory_space<vmem>> -> memref<128xi32, #tpu.memory_space<vmem>>
      %dma_start3A_14 = arith.constant 0 : i32
      %dma_start3A_15 = arith.constant 0 : i32
      %dma_start3A_16 = tpu.memref_slice %arg2[%dma_start3A_14, %dma_start3A_15] : memref<60800x256xf32, #tpu.memory_space<hbm>> -> memref<60800x256xf32, #tpu.memory_space<hbm>>
      tpu.enqueue_indirect_dma source(%dma_start3A_16 : memref<60800x256xf32, #tpu.memory_space<hbm>>) target(%dma_start3A_11 : memref<128x256xf32, #tpu.memory_space<vmem>>) offsets(%dma_start3A_13 : memref<128xi32, #tpu.memory_space<vmem>>) semaphore(%arg12 : memref<!tpu.dma_semaphore, #tpu.memory_space<semaphore_mem>>)
      %dma_start3A_17 = arith.constant 128 : i32
      %dma_start3A_18 = arith.constant 0 : i32
      %dma_start3A_19 = tpu.memref_slice %arg8[%dma_start3A_17, %dma_start3A_18] : memref<200x256xf32, #tpu.memory_space<vmem>> -> memref<72x256xf32, #tpu.memory_space<vmem>>
      %dma_start3A_20 = arith.constant 128 : i32
      %dma_start3A_21 = tpu.memref_slice %arg7[%dma_start3A_20] : memref<200xi32, #tpu.memory_space<vmem>> -> memref<72xi32, #tpu.memory_space<vmem>>
      %dma_start3A_22 = arith.constant 0 : i32
      %dma_start3A_23 = arith.constant 0 : i32
      %dma_start3A_24 = tpu.memref_slice %arg2[%dma_start3A_22, %dma_start3A_23] : memref<60800x256xf32, #tpu.memory_space<hbm>> -> memref<60800x256xf32, #tpu.memory_space<hbm>>
      tpu.enqueue_indirect_dma source(%dma_start3A_24 : memref<60800x256xf32, #tpu.memory_space<hbm>>) target(%dma_start3A_19 : memref<72x256xf32, #tpu.memory_space<vmem>>) offsets(%dma_start3A_21 : memref<72xi32, #tpu.memory_space<vmem>>) semaphore(%arg12 : memref<!tpu.dma_semaphore, #tpu.memory_space<semaphore_mem>>)
      %dma_wait3A = arith.constant 0 : i32
      %dma_wait3A_25 = arith.constant 0 : i32
      %dma_wait3A_26 = tpu.memref_slice %arg8[%dma_wait3A, %dma_wait3A_25] : memref<200x256xf32, #tpu.memory_space<vmem>> -> memref<128x256xf32, #tpu.memory_space<vmem>>
      %dma_wait3A_27 = arith.constant 0 : i32
      %dma_wait3A_28 = tpu.memref_slice %arg7[%dma_wait3A_27] : memref<200xi32, #tpu.memory_space<vmem>> -> memref<128xi32, #tpu.memory_space<vmem>>
      %dma_wait3A_29 = arith.constant 0 : i32
      %dma_wait3A_30 = arith.constant 0 : i32
      %dma_wait3A_31 = tpu.memref_slice %arg2[%dma_wait3A_29, %dma_wait3A_30] : memref<60800x256xf32, #tpu.memory_space<hbm>> -> memref<60800x256xf32, #tpu.memory_space<hbm>>
      tpu.wait_indirect_dma semaphore(%arg12 : memref<!tpu.dma_semaphore, #tpu.memory_space<semaphore_mem>>) src(%dma_wait3A_31 : memref<60800x256xf32, #tpu.memory_space<hbm>>) dst(%dma_wait3A_26 : memref<128x256xf32, #tpu.memory_space<vmem>>)
      %dma_wait3A_32 = arith.constant 128 : i32
      %dma_wait3A_33 = arith.constant 0 : i32
      %dma_wait3A_34 = tpu.memref_slice %arg8[%dma_wait3A_32, %dma_wait3A_33] : memref<200x256xf32, #tpu.memory_space<vmem>> -> memref<72x256xf32, #tpu.memory_space<vmem>>
      %dma_wait3A_35 = arith.constant 128 : i32
      %dma_wait3A_36 = tpu.memref_slice %arg7[%dma_wait3A_35] : memref<200xi32, #tpu.memory_space<vmem>> -> memref<72xi32, #tpu.memory_space<vmem>>
      %dma_wait3A_37 = arith.constant 0 : i32
      %dma_wait3A_38 = arith.constant 0 : i32
      %dma_wait3A_39 = tpu.memref_slice %arg2[%dma_wait3A_37, %dma_wait3A_38] : memref<60800x256xf32, #tpu.memory_space<hbm>> -> memref<60800x256xf32, #tpu.memory_space<hbm>>
      tpu.wait_indirect_dma semaphore(%arg12 : memref<!tpu.dma_semaphore, #tpu.memory_space<semaphore_mem>>) src(%dma_wait3A_39 : memref<60800x256xf32, #tpu.memory_space<hbm>>) dst(%dma_wait3A_34 : memref<72x256xf32, #tpu.memory_space<vmem>>)
      %scan3A_40 = arith.constant 0 : i32
      %scan3A_41 = arith.constant 0 : i32
      %scan3A_42 = arith.constant 49 : i32
      %scan3A_43 = arith.addi %scan3A_41, %scan3A_42 : i32
      %scan3A_44 = arith.constant 1 : i32
      scf.for %scan3A_46 = %scan3A_41 to %scan3A_43 step %scan3A_44  : i32 {
        %mul3A_47 = arith.constant 16 : i32
        %mul3A_48 = arith.muli %scan3A_46, %mul3A_47 : i32
        %get3A = arith.index_cast %mul3A_48 : i32 to index
        %get3A_49 = tpu.vector_load %arg9[%get3A] {strides = array<i32>} : memref<3200xf32, #tpu.memory_space<vmem>>, vector<16xf32>,
        %get3A_50 = vector.shape_cast %get3A_49 : vector<16xf32> to vector<16xf32>
        %add3A_51 = arith.constant 50 : i32
        %add3A_52 = arith.addi %add3A_51, %scan3A_46 : i32
        %mul3A_53 = arith.constant 16 : i32
        %mul3A_54 = arith.muli %add3A_52, %mul3A_53 : i32
        %get3A_55 = arith.index_cast %mul3A_54 : i32 to index
        %get3A_56 = tpu.vector_load %arg9[%get3A_55] {strides = array<i32>} : memref<3200xf32, #tpu.memory_space<vmem>>, vector<16xf32>,
        %get3A_57 = vector.shape_cast %get3A_56 : vector<16xf32> to vector<16xf32>
        %add3A_58 = arith.constant 100 : i32
        %add3A_59 = arith.addi %add3A_58, %scan3A_46 : i32
        %mul3A_60 = arith.constant 16 : i32
        %mul3A_61 = arith.muli %add3A_59, %mul3A_60 : i32
        %get3A_62 = arith.index_cast %mul3A_61 : i32 to index
        %get3A_63 = tpu.vector_load %arg9[%get3A_62] {strides = array<i32>} : memref<3200xf32, #tpu.memory_space<vmem>>, vector<16xf32>,
        %get3A_64 = vector.shape_cast %get3A_63 : vector<16xf32> to vector<16xf32>
        %add3A_65 = arith.constant 150 : i32
        %add3A_66 = arith.addi %add3A_65, %scan3A_46 : i32
        %mul3A_67 = arith.constant 16 : i32
        %mul3A_68 = arith.muli %add3A_66, %mul3A_67 : i32
        %get3A_69 = arith.index_cast %mul3A_68 : i32 to index
        %get3A_70 = tpu.vector_load %arg9[%get3A_69] {strides = array<i32>} : memref<3200xf32, #tpu.memory_space<vmem>>, vector<16xf32>,
        %get3A_71 = vector.shape_cast %get3A_70 : vector<16xf32> to vector<16xf32>
        %mul3A_72 = arith.constant 16 : i32
        %mul3A_73 = arith.muli %scan3A_46, %mul3A_72 : i32
        %get3A_74 = arith.index_cast %mul3A_73 : i32 to index
        %get3A_75 = tpu.vector_load %arg10[%get3A_74] {strides = array<i32>} : memref<3200xf32, #tpu.memory_space<vmem>>, vector<16xf32>,
        %get3A_76 = vector.shape_cast %get3A_75 : vector<16xf32> to vector<16xf32>
        %add3A_77 = arith.constant 50 : i32
        %add3A_78 = arith.addi %add3A_77, %scan3A_46 : i32
        %mul3A_79 = arith.constant 16 : i32
        %mul3A_80 = arith.muli %add3A_78, %mul3A_79 : i32
        %get3A_81 = arith.index_cast %mul3A_80 : i32 to index
        %get3A_82 = tpu.vector_load %arg10[%get3A_81] {strides = array<i32>} : memref<3200xf32, #tpu.memory_space<vmem>>, vector<16xf32>,
        %get3A_83 = vector.shape_cast %get3A_82 : vector<16xf32> to vector<16xf32>
        %add3A_84 = arith.constant 100 : i32
        %add3A_85 = arith.addi %add3A_84, %scan3A_46 : i32
        %mul3A_86 = arith.constant 16 : i32
        %mul3A_87 = arith.muli %add3A_85, %mul3A_86 : i32
        %get3A_88 = arith.index_cast %mul3A_87 : i32 to index
        %get3A_89 = tpu.vector_load %arg10[%get3A_88] {strides = array<i32>} : memref<3200xf32, #tpu.memory_space<vmem>>, vector<16xf32>,
        %get3A_90 = vector.shape_cast %get3A_89 : vector<16xf32> to vector<16xf32>
        %add3A_91 = arith.constant 150 : i32
        %add3A_92 = arith.addi %add3A_91, %scan3A_46 : i32
        %mul3A_93 = arith.constant 16 : i32
        %mul3A_94 = arith.muli %add3A_92, %mul3A_93 : i32
        %get3A_95 = arith.index_cast %mul3A_94 : i32 to index
        %get3A_96 = tpu.vector_load %arg10[%get3A_95] {strides = array<i32>} : memref<3200xf32, #tpu.memory_space<vmem>>, vector<16xf32>,
        %get3A_97 = vector.shape_cast %get3A_96 : vector<16xf32> to vector<16xf32>
        %scan3A_98 = arith.constant 0 : i32
        %scan3A_99 = arith.constant 16 : i32
        %scan3A_100 = arith.addi %scan3A_98, %scan3A_99 : i32
        %scan3A_101 = arith.constant 1 : i32
        scf.for %scan3A_103 = %scan3A_98 to %scan3A_100 step %scan3A_101  : i32 {
          %mul3A_104 = arith.constant 16 : i32
          %mul3A_105 = arith.muli %scan3A_103, %mul3A_104 : i32
          %get3A_106 = arith.index_cast %scan3A_46 : i32 to index
          %get3A_107 = arith.index_cast %mul3A_105 : i32 to index
          %get3A_108 = tpu.vector_load %arg8[%get3A_106, %get3A_107] {strides = array<i32>} : memref<200x256xf32, #tpu.memory_space<vmem>>, vector<1x16xf32>,
          %get3A_109 = vector.shape_cast %get3A_108 : vector<1x16xf32> to vector<16xf32>
          %mul3A_110 = arith.mulf %get3A_109, %get3A_50 : vector<16xf32>
          %mul3A_111 = arith.mulf %mul3A_110, %get3A_76 : vector<16xf32>
          %add3A_112 = arith.constant 50 : i32
          %add3A_113 = arith.addi %add3A_112, %scan3A_46 : i32
          %get3A_114 = arith.index_cast %add3A_113 : i32 to index
          %get3A_115 = arith.index_cast %mul3A_105 : i32 to index
          %get3A_116 = tpu.vector_load %arg8[%get3A_114, %get3A_115] {strides = array<i32>} : memref<200x256xf32, #tpu.memory_space<vmem>>, vector<1x16xf32>,
          %get3A_117 = vector.shape_cast %get3A_116 : vector<1x16xf32> to vector<16xf32>
          %mul3A_118 = arith.mulf %get3A_117, %get3A_57 : vector<16xf32>
          %mul3A_119 = arith.mulf %mul3A_118, %get3A_83 : vector<16xf32>
          %add3A_120 = arith.addf %mul3A_111, %mul3A_119 : vector<16xf32>
          %add3A_121 = arith.constant 100 : i32
          %add3A_122 = arith.addi %add3A_121, %scan3A_46 : i32
          %get3A_123 = arith.index_cast %add3A_122 : i32 to index
          %get3A_124 = arith.index_cast %mul3A_105 : i32 to index
          %get3A_125 = tpu.vector_load %arg8[%get3A_123, %get3A_124] {strides = array<i32>} : memref<200x256xf32, #tpu.memory_space<vmem>>, vector<1x16xf32>,
          %get3A_126 = vector.shape_cast %get3A_125 : vector<1x16xf32> to vector<16xf32>
          %mul3A_127 = arith.mulf %get3A_126, %get3A_64 : vector<16xf32>
          %mul3A_128 = arith.mulf %mul3A_127, %get3A_90 : vector<16xf32>
          %add3A_129 = arith.addf %add3A_120, %mul3A_128 : vector<16xf32>
          %add3A_130 = arith.constant 150 : i32
          %add3A_131 = arith.addi %add3A_130, %scan3A_46 : i32
          %get3A_132 = arith.index_cast %add3A_131 : i32 to index
          %get3A_133 = arith.index_cast %mul3A_105 : i32 to index
          %get3A_134 = tpu.vector_load %arg8[%get3A_132, %get3A_133] {strides = array<i32>} : memref<200x256xf32, #tpu.memory_space<vmem>>, vector<1x16xf32>,
          %get3A_135 = vector.shape_cast %get3A_134 : vector<1x16xf32> to vector<16xf32>
          %mul3A_136 = arith.mulf %get3A_135, %get3A_71 : vector<16xf32>
          %mul3A_137 = arith.mulf %mul3A_136, %get3A_97 : vector<16xf32>
          %add3A_138 = arith.addf %add3A_129, %mul3A_137 : vector<16xf32>
          %mul3A_139 = arith.constant 256 : i32
          %mul3A_140 = arith.muli %scan3A_46, %mul3A_139 : i32
          %mul3A_141 = arith.constant 16 : i32
          %mul3A_142 = arith.muli %scan3A_103, %mul3A_141 : i32
          %add3A_143 = arith.addi %mul3A_140, %mul3A_142 : i32
          %swap3A = arith.index_cast %add3A_143 : i32 to index
          %swap3A_144 = tpu.vector_load %arg11[%swap3A] {strides = array<i32>} : memref<12544xf32, #tpu.memory_space<vmem>>, vector<16xf32>,
          %swap3A_145 = vector.shape_cast %swap3A_144 : vector<16xf32> to vector<16xf32>
          %swap3A_146 = vector.shape_cast %add3A_138 : vector<16xf32> to vector<16xf32>
          tpu.vector_store %arg11[%swap3A], %swap3A_146 {strides = array<i32>} : memref<12544xf32, #tpu.memory_space<vmem>>, vector<16xf32>,
        }
        %scan3A_102 = arith.constant 16 : i32
      }
      %scan3A_45 = arith.constant 49 : i32
      "tpu.region"() ({
        %run_scoped3A = tpu.sem_alloc : memref<!tpu.dma_semaphore, #tpu.memory_space<semaphore_mem>>
        %dma_start3A_46 = arith.constant 0 : i32
        %dma_start3A_47 = tpu.memref_slice %arg6[%add3A_9, %dma_start3A_46] : memref<1024x12544xf32, #tpu.memory_space<hbm>> -> memref<1x12544xf32, #tpu.memory_space<hbm>>
        %dma_start3A_48 = tpu.memref_squeeze %dma_start3A_47 : memref<1x12544xf32, #tpu.memory_space<hbm>> -> memref<12544xf32, #tpu.memory_space<hbm>>
        %dma_start3A_49 = arith.constant 0 : i32
        %dma_start3A_50 = tpu.memref_slice %arg6[%add3A_9, %dma_start3A_49] : memref<1024x12544xf32, #tpu.memory_space<hbm>> -> memref<1x12544xf32, #tpu.memory_space<hbm>>
        %dma_start3A_51 = tpu.memref_squeeze %dma_start3A_50 : memref<1x12544xf32, #tpu.memory_space<hbm>> -> memref<12544xf32, #tpu.memory_space<hbm>>
        tpu.enqueue_dma source(%arg11 : memref<12544xf32, #tpu.memory_space<vmem>>) target(%dma_start3A_51 : memref<12544xf32, #tpu.memory_space<hbm>>) target_semaphore(%run_scoped3A : memref<!tpu.dma_semaphore, #tpu.memory_space<semaphore_mem>>)
        %dma_wait3A_52 = arith.constant 0 : i32
        %dma_wait3A_53 = tpu.memref_slice %arg6[%add3A_9, %dma_wait3A_52] : memref<1024x12544xf32, #tpu.memory_space<hbm>> -> memref<1x12544xf32, #tpu.memory_space<hbm>>
        %dma_wait3A_54 = tpu.memref_squeeze %dma_wait3A_53 : memref<1x12544xf32, #tpu.memory_space<hbm>> -> memref<12544xf32, #tpu.memory_space<hbm>>
        %dma_wait3A_55 = arith.constant 0 : i32
        %dma_wait3A_56 = tpu.memref_slice %arg6[%add3A_9, %dma_wait3A_55] : memref<1024x12544xf32, #tpu.memory_space<hbm>> -> memref<1x12544xf32, #tpu.memory_space<hbm>>
        %dma_wait3A_57 = tpu.memref_squeeze %dma_wait3A_56 : memref<1x12544xf32, #tpu.memory_space<hbm>> -> memref<12544xf32, #tpu.memory_space<hbm>>
        tpu.wait_dma2 semaphore(%run_scoped3A : memref<!tpu.dma_semaphore, #tpu.memory_space<semaphore_mem>>) src(%arg11 : memref<12544xf32, #tpu.memory_space<vmem>>) dst(%dma_wait3A_57 : memref<12544xf32, #tpu.memory_space<hbm>>)
        tpu.yield
      }) : () -> ()
    }
    %scan3A_5 = arith.constant 32 : i32
    return
  }
}

module attributes {stable_mosaic.version = 14 : i64} {
  func.func @_prep_body(%arg0: memref<1024x4xf32, #tpu.memory_space<vmem>>, %arg1: memref<1024x4xf32, #tpu.memory_space<vmem>>, %arg2: memref<1024x200xi32, #tpu.memory_space<vmem>>, %arg3: memref<1024x200xf32, #tpu.memory_space<vmem>>, %arg4: memref<1024x200xf32, #tpu.memory_space<vmem>>) attributes {dimension_semantics = [], scalar_prefetch = 0 : i64, scratch_operands = 0 : i64, tpu.core_type = #tpu.core_type<tc>} {
    %get3A = arith.constant 0 : index
    %get3A_0 = arith.constant 0 : index
    %get3A_1 = vector.load %arg0[%get3A, %get3A_0] : memref<1024x4xf32, #tpu.memory_space<vmem>>, vector<1024x4xf32>
    %slice3A = vector.extract_strided_slice %get3A_1 {offsets = [0, 0], sizes = [1024, 1], strides = [1, 1]} : vector<1024x4xf32> to vector<1024x1xf32>
    %mul3A = arith.constant 3.030000e+02 : f32
    %mul3A_2 = vector.broadcast %mul3A : f32 to vector<1024x1xf32>
    %mul3A_3 = arith.mulf %slice3A, %mul3A_2 : vector<1024x1xf32>
    %slice3A_4 = vector.extract_strided_slice %get3A_1 {offsets = [0, 1], sizes = [1024, 1], strides = [1, 1]} : vector<1024x4xf32> to vector<1024x1xf32>
    %mul3A_5 = arith.constant 1.990000e+02 : f32
    %mul3A_6 = vector.broadcast %mul3A_5 : f32 to vector<1024x1xf32>
    %mul3A_7 = arith.mulf %slice3A_4, %mul3A_6 : vector<1024x1xf32>
    %slice3A_8 = vector.extract_strided_slice %get3A_1 {offsets = [0, 2], sizes = [1024, 1], strides = [1, 1]} : vector<1024x4xf32> to vector<1024x1xf32>
    %mul3A_9 = arith.constant 6.000000e+01 : f32
    %mul3A_10 = vector.broadcast %mul3A_9 : f32 to vector<1024x1xf32>
    %mul3A_11 = arith.mulf %slice3A_8, %mul3A_10 : vector<1024x1xf32>
    %add3A = arith.constant 4.000000e+00 : f32
    %add3A_12 = vector.broadcast %add3A : f32 to vector<1024x1xf32>
    %add3A_13 = arith.addf %mul3A_11, %add3A_12 : vector<1024x1xf32>
    %slice3A_14 = vector.extract_strided_slice %get3A_1 {offsets = [0, 3], sizes = [1024, 1], strides = [1, 1]} : vector<1024x4xf32> to vector<1024x1xf32>
    %mul3A_15 = arith.constant 6.000000e+01 : f32
    %mul3A_16 = vector.broadcast %mul3A_15 : f32 to vector<1024x1xf32>
    %mul3A_17 = arith.mulf %slice3A_14, %mul3A_16 : vector<1024x1xf32>
    %add3A_18 = arith.constant 4.000000e+00 : f32
    %add3A_19 = vector.broadcast %add3A_18 : f32 to vector<1024x1xf32>
    %add3A_20 = arith.addf %mul3A_17, %add3A_19 : vector<1024x1xf32>
    %div3A = arith.constant 2.000000e+00 : f32
    %div3A_21 = vector.broadcast %div3A : f32 to vector<1024x1xf32>
    %div3A_22 = arith.divf %add3A_13, %div3A_21 : vector<1024x1xf32>
    %sub3A = arith.subf %mul3A_3, %div3A_22 : vector<1024x1xf32>
    %jit3A = arith.constant 0.000000e+00 : f32
    %jit3A_23 = arith.constant 3.030000e+02 : f32
    %max3A = vector.broadcast %jit3A : f32 to vector<1024x1xf32>
    %max3A_24 = arith.maximumf %max3A, %sub3A : vector<1024x1xf32>
    %min3A = vector.broadcast %jit3A_23 : f32 to vector<1024x1xf32>
    %min3A_25 = arith.minimumf %min3A, %max3A_24 : vector<1024x1xf32>
    %div3A_26 = arith.constant 2.000000e+00 : f32
    %div3A_27 = vector.broadcast %div3A_26 : f32 to vector<1024x1xf32>
    %div3A_28 = arith.divf %add3A_20, %div3A_27 : vector<1024x1xf32>
    %sub3A_29 = arith.subf %mul3A_7, %div3A_28 : vector<1024x1xf32>
    %jit3A_30 = arith.constant 0.000000e+00 : f32
    %jit3A_31 = arith.constant 1.990000e+02 : f32
    %max3A_32 = vector.broadcast %jit3A_30 : f32 to vector<1024x1xf32>
    %max3A_33 = arith.maximumf %max3A_32, %sub3A_29 : vector<1024x1xf32>
    %min3A_34 = vector.broadcast %jit3A_31 : f32 to vector<1024x1xf32>
    %min3A_35 = arith.minimumf %min3A_34, %max3A_33 : vector<1024x1xf32>
    %div3A_36 = arith.constant 2.000000e+00 : f32
    %div3A_37 = vector.broadcast %div3A_36 : f32 to vector<1024x1xf32>
    %div3A_38 = arith.divf %add3A_13, %div3A_37 : vector<1024x1xf32>
    %add3A_39 = arith.addf %mul3A_3, %div3A_38 : vector<1024x1xf32>
    %jit3A_40 = arith.constant 0.000000e+00 : f32
    %jit3A_41 = arith.constant 3.030000e+02 : f32
    %max3A_42 = vector.broadcast %jit3A_40 : f32 to vector<1024x1xf32>
    %max3A_43 = arith.maximumf %max3A_42, %add3A_39 : vector<1024x1xf32>
    %min3A_44 = vector.broadcast %jit3A_41 : f32 to vector<1024x1xf32>
    %min3A_45 = arith.minimumf %min3A_44, %max3A_43 : vector<1024x1xf32>
    %div3A_46 = arith.constant 2.000000e+00 : f32
    %div3A_47 = vector.broadcast %div3A_46 : f32 to vector<1024x1xf32>
    %div3A_48 = arith.divf %add3A_20, %div3A_47 : vector<1024x1xf32>
    %add3A_49 = arith.addf %mul3A_7, %div3A_48 : vector<1024x1xf32>
    %jit3A_50 = arith.constant 0.000000e+00 : f32
    %jit3A_51 = arith.constant 1.990000e+02 : f32
    %max3A_52 = vector.broadcast %jit3A_50 : f32 to vector<1024x1xf32>
    %max3A_53 = arith.maximumf %max3A_52, %add3A_49 : vector<1024x1xf32>
    %min3A_54 = vector.broadcast %jit3A_51 : f32 to vector<1024x1xf32>
    %min3A_55 = arith.minimumf %min3A_54, %max3A_53 : vector<1024x1xf32>
    %sub3A_56 = arith.subf %min3A_45, %min3A_25 : vector<1024x1xf32>
    %max3A_57 = arith.constant 1.000000e+00 : f32
    %max3A_58 = vector.broadcast %max3A_57 : f32 to vector<1024x1xf32>
    %max3A_59 = arith.maximumf %sub3A_56, %max3A_58 : vector<1024x1xf32>
    %sub3A_60 = arith.subf %min3A_55, %min3A_35 : vector<1024x1xf32>
    %max3A_61 = arith.constant 1.000000e+00 : f32
    %max3A_62 = vector.broadcast %max3A_61 : f32 to vector<1024x1xf32>
    %max3A_63 = arith.maximumf %sub3A_60, %max3A_62 : vector<1024x1xf32>
    %iota3A = tpu.iota {dimensions = array<i32: 1>} : vector<1x49xi32>
    %iota3A_64 = vector.shape_cast %iota3A : vector<1x49xi32> to vector<49xi32>
    %jit3A_65 = arith.constant 7 : i32
    %eq3A = arith.constant 0 : i32
    %eq3A_66 = arith.cmpi eq, %jit3A_65, %eq3A : i32
    %jit3A_67 = arith.constant 1 : i32
    %select_n3A = arith.select %eq3A_66, %jit3A_67, %jit3A_65 : i32
    %rem3A = vector.broadcast %select_n3A : i32 to vector<49xi32>
    %rem3A_68 = arith.remsi %iota3A_64, %rem3A : vector<49xi32>
    %ne3A = arith.constant 0 : i32
    %ne3A_69 = vector.broadcast %ne3A : i32 to vector<49xi32>
    %ne3A_70 = arith.cmpi ne, %rem3A_68, %ne3A_69 : vector<49xi32>
    %lt3A = arith.constant 0 : i32
    %lt3A_71 = vector.broadcast %lt3A : i32 to vector<49xi32>
    %lt3A_72 = arith.cmpi slt, %rem3A_68, %lt3A_71 : vector<49xi32>
    %lt3A_73 = arith.constant 0 : i32
    %lt3A_74 = arith.cmpi slt, %select_n3A, %lt3A_73 : i32
    %ne3A_75 = vector.broadcast %lt3A_74 : i1 to vector<49xi1>
    %ne3A_76 = vector.broadcast %ne3A_75 : vector<49xi1> to vector<49xi1>
    %ne3A_77 = arith.xori %lt3A_72, %ne3A_76 : vector<49xi1>
    %and3A = arith.andi %ne3A_77, %ne3A_70 : vector<49xi1>
    %add3A_78 = vector.broadcast %select_n3A : i32 to vector<49xi32>
    %add3A_79 = arith.addi %rem3A_68, %add3A_78 : vector<49xi32>
    %select_n3A_80 = arith.select %and3A, %add3A_79, %rem3A_68 : vector<49xi1>, vector<49xi32>
    %convert_element_type3A = arith.sitofp %select_n3A_80 : vector<49xi32> to vector<49xf32>
    %add3A_81 = arith.constant 5.000000e-01 : f32
    %add3A_82 = vector.broadcast %add3A_81 : f32 to vector<49xf32>
    %add3A_83 = arith.addf %convert_element_type3A, %add3A_82 : vector<49xf32>
    %div3A_84 = arith.constant 7.000000e+00 : f32
    %div3A_85 = vector.broadcast %div3A_84 : f32 to vector<49xf32>
    %div3A_86 = arith.divf %add3A_83, %div3A_85 : vector<49xf32>
    %broadcast_in_dim3A = vector.shape_cast %div3A_86 : vector<49xf32> to vector<1x49xf32>
    %jit3A_87 = arith.constant 7 : i32
    %div3A_88 = vector.broadcast %jit3A_87 : i32 to vector<49xi32>
    %div3A_89 = arith.divsi %iota3A_64, %div3A_88 : vector<49xi32>
    %sign3A = arith.constant 0 : i32
    %sign3A_90 = vector.broadcast %sign3A : i32 to vector<49xi32>
    %sign3A_91 = arith.cmpi sgt, %iota3A_64, %sign3A_90 : vector<49xi32>
    %sign3A_92 = arith.extui %sign3A_91 : vector<49xi1> to vector<49xi32>
    %sign3A_93 = arith.constant 0 : i32
    %sign3A_94 = vector.broadcast %sign3A_93 : i32 to vector<49xi32>
    %sign3A_95 = arith.cmpi slt, %iota3A_64, %sign3A_94 : vector<49xi32>
    %sign3A_96 = arith.extui %sign3A_95 : vector<49xi1> to vector<49xi32>
    %sign3A_97 = arith.subi %sign3A_92, %sign3A_96 : vector<49xi32>
    %sign3A_98 = arith.constant 0 : i32
    %sign3A_99 = arith.cmpi sgt, %jit3A_87, %sign3A_98 : i32
    %sign3A_100 = arith.extui %sign3A_99 : i1 to i32
    %sign3A_101 = arith.constant 0 : i32
    %sign3A_102 = arith.cmpi slt, %jit3A_87, %sign3A_101 : i32
    %sign3A_103 = arith.extui %sign3A_102 : i1 to i32
    %sign3A_104 = arith.subi %sign3A_100, %sign3A_103 : i32
    %ne3A_105 = vector.broadcast %sign3A_104 : i32 to vector<49xi32>
    %ne3A_106 = arith.cmpi ne, %sign3A_97, %ne3A_105 : vector<49xi32>
    %rem3A_107 = vector.broadcast %jit3A_87 : i32 to vector<49xi32>
    %rem3A_108 = arith.remsi %iota3A_64, %rem3A_107 : vector<49xi32>
    %ne3A_109 = arith.constant 0 : i32
    %ne3A_110 = vector.broadcast %ne3A_109 : i32 to vector<49xi32>
    %ne3A_111 = arith.cmpi ne, %rem3A_108, %ne3A_110 : vector<49xi32>
    %and3A_112 = arith.andi %ne3A_106, %ne3A_111 : vector<49xi1>
    %sub3A_113 = arith.constant 1 : i32
    %sub3A_114 = vector.broadcast %sub3A_113 : i32 to vector<49xi32>
    %sub3A_115 = arith.subi %div3A_89, %sub3A_114 : vector<49xi32>
    %select_n3A_116 = arith.select %and3A_112, %sub3A_115, %div3A_89 : vector<49xi1>, vector<49xi32>
    %convert_element_type3A_117 = arith.sitofp %select_n3A_116 : vector<49xi32> to vector<49xf32>
    %add3A_118 = arith.constant 5.000000e-01 : f32
    %add3A_119 = vector.broadcast %add3A_118 : f32 to vector<49xf32>
    %add3A_120 = arith.addf %convert_element_type3A_117, %add3A_119 : vector<49xf32>
    %div3A_121 = arith.constant 7.000000e+00 : f32
    %div3A_122 = vector.broadcast %div3A_121 : f32 to vector<49xf32>
    %div3A_123 = arith.divf %add3A_120, %div3A_122 : vector<49xf32>
    %broadcast_in_dim3A_124 = vector.shape_cast %div3A_123 : vector<49xf32> to vector<1x49xf32>
    %mul3A_125 = vector.broadcast %broadcast_in_dim3A : vector<1x49xf32> to vector<1024x49xf32>
    %mul3A_126 = vector.broadcast %max3A_59 : vector<1024x1xf32> to vector<1024x49xf32>
    %mul3A_127 = arith.mulf %mul3A_125, %mul3A_126 : vector<1024x49xf32>
    %add3A_128 = vector.broadcast %min3A_25 : vector<1024x1xf32> to vector<1024x49xf32>
    %add3A_129 = arith.addf %add3A_128, %mul3A_127 : vector<1024x49xf32>
    %mul3A_130 = vector.broadcast %broadcast_in_dim3A_124 : vector<1x49xf32> to vector<1024x49xf32>
    %mul3A_131 = vector.broadcast %max3A_63 : vector<1024x1xf32> to vector<1024x49xf32>
    %mul3A_132 = arith.mulf %mul3A_130, %mul3A_131 : vector<1024x49xf32>
    %add3A_133 = vector.broadcast %min3A_35 : vector<1024x1xf32> to vector<1024x49xf32>
    %add3A_134 = arith.addf %add3A_133, %mul3A_132 : vector<1024x49xf32>
    %floor3A = math.floor %add3A_129 : vector<1024x49xf32>
    %convert_element_type3A_135 = arith.fptosi %floor3A : vector<1024x49xf32> to vector<1024x49xi32>
    %jit3A_136 = arith.constant 0 : i32
    %jit3A_137 = arith.constant 302 : i32
    %max3A_138 = vector.broadcast %jit3A_136 : i32 to vector<1024x49xi32>
    %max3A_139 = arith.maxsi %max3A_138, %convert_element_type3A_135 : vector<1024x49xi32>
    %min3A_140 = vector.broadcast %jit3A_137 : i32 to vector<1024x49xi32>
    %min3A_141 = arith.minsi %min3A_140, %max3A_139 : vector<1024x49xi32>
    %floor3A_142 = math.floor %add3A_134 : vector<1024x49xf32>
    %convert_element_type3A_143 = arith.fptosi %floor3A_142 : vector<1024x49xf32> to vector<1024x49xi32>
    %jit3A_144 = arith.constant 0 : i32
    %jit3A_145 = arith.constant 198 : i32
    %max3A_146 = vector.broadcast %jit3A_144 : i32 to vector<1024x49xi32>
    %max3A_147 = arith.maxsi %max3A_146, %convert_element_type3A_143 : vector<1024x49xi32>
    %min3A_148 = vector.broadcast %jit3A_145 : i32 to vector<1024x49xi32>
    %min3A_149 = arith.minsi %min3A_148, %max3A_147 : vector<1024x49xi32>
    %convert_element_type3A_150 = arith.sitofp %min3A_141 : vector<1024x49xi32> to vector<1024x49xf32>
    %sub3A_151 = arith.subf %add3A_129, %convert_element_type3A_150 : vector<1024x49xf32>
    %convert_element_type3A_152 = arith.sitofp %min3A_149 : vector<1024x49xi32> to vector<1024x49xf32>
    %sub3A_153 = arith.subf %add3A_134, %convert_element_type3A_152 : vector<1024x49xf32>
    %mul3A_154 = arith.constant 304 : i32
    %mul3A_155 = vector.broadcast %mul3A_154 : i32 to vector<1024x49xi32>
    %mul3A_156 = arith.muli %min3A_149, %mul3A_155 : vector<1024x49xi32>
    %add3A_157 = arith.addi %mul3A_156, %min3A_141 : vector<1024x49xi32>
    %broadcast_in_dim3A_158 = arith.constant 0 : i32
    %broadcast_in_dim3A_159 = vector.broadcast %broadcast_in_dim3A_158 : i32 to vector<1024x1xi32>
    %add3A_160 = arith.constant 1 : i32
    %add3A_161 = vector.broadcast %add3A_160 : i32 to vector<1024x49xi32>
    %add3A_162 = arith.addi %add3A_157, %add3A_161 : vector<1024x49xi32>
    %add3A_163 = arith.constant 304 : i32
    %add3A_164 = vector.broadcast %add3A_163 : i32 to vector<1024x49xi32>
    %add3A_165 = arith.addi %add3A_157, %add3A_164 : vector<1024x49xi32>
    %add3A_166 = arith.constant 304 : i32
    %add3A_167 = vector.broadcast %add3A_166 : i32 to vector<1024x49xi32>
    %add3A_168 = arith.addi %add3A_157, %add3A_167 : vector<1024x49xi32>
    %add3A_169 = arith.constant 1 : i32
    %add3A_170 = vector.broadcast %add3A_169 : i32 to vector<1024x49xi32>
    %add3A_171 = arith.addi %add3A_168, %add3A_170 : vector<1024x49xi32>
    %concatenate3A = tpu.concatenate %add3A_157, %broadcast_in_dim3A_159, %add3A_162, %broadcast_in_dim3A_159, %add3A_165, %broadcast_in_dim3A_159, %add3A_171, %broadcast_in_dim3A_159 in 1 : vector<1024x49xi32>, vector<1024x1xi32>, vector<1024x49xi32>, vector<1024x1xi32>, vector<1024x49xi32>, vector<1024x1xi32>, vector<1024x49xi32>, vector<1024x1xi32> -> vector<1024x200xi32>
    %swap3A = arith.constant 0 : index
    %swap3A_172 = arith.constant 0 : index
    %swap3A_173 = vector.load %arg2[%swap3A, %swap3A_172] : memref<1024x200xi32, #tpu.memory_space<vmem>>, vector<1024x200xi32>
    tpu.vector_store %arg2[%swap3A, %swap3A_172], %concatenate3A {strides = array<i32>} : memref<1024x200xi32, #tpu.memory_space<vmem>>, vector<1024x200xi32>,
    %broadcast_in_dim3A_174 = arith.constant 0.000000e+00 : f32
    %broadcast_in_dim3A_175 = vector.broadcast %broadcast_in_dim3A_174 : f32 to vector<1024x1xf32>
    %sub3A_176 = arith.constant 1.000000e+00 : f32
    %sub3A_177 = vector.broadcast %sub3A_176 : f32 to vector<1024x49xf32>
    %sub3A_178 = arith.subf %sub3A_177, %sub3A_153 : vector<1024x49xf32>
    %sub3A_179 = arith.constant 1.000000e+00 : f32
    %sub3A_180 = vector.broadcast %sub3A_179 : f32 to vector<1024x49xf32>
    %sub3A_181 = arith.subf %sub3A_180, %sub3A_153 : vector<1024x49xf32>
    %concatenate3A_182 = tpu.concatenate %sub3A_178, %broadcast_in_dim3A_175, %sub3A_181, %broadcast_in_dim3A_175, %sub3A_153, %broadcast_in_dim3A_175, %sub3A_153, %broadcast_in_dim3A_175 in 1 : vector<1024x49xf32>, vector<1024x1xf32>, vector<1024x49xf32>, vector<1024x1xf32>, vector<1024x49xf32>, vector<1024x1xf32>, vector<1024x49xf32>, vector<1024x1xf32> -> vector<1024x200xf32>
    %swap3A_183 = arith.constant 0 : index
    %swap3A_184 = arith.constant 0 : index
    %swap3A_185 = vector.load %arg3[%swap3A_183, %swap3A_184] : memref<1024x200xf32, #tpu.memory_space<vmem>>, vector<1024x200xf32>
    tpu.vector_store %arg3[%swap3A_183, %swap3A_184], %concatenate3A_182 {strides = array<i32>} : memref<1024x200xf32, #tpu.memory_space<vmem>>, vector<1024x200xf32>,
    %sub3A_186 = arith.constant 1.000000e+00 : f32
    %sub3A_187 = vector.broadcast %sub3A_186 : f32 to vector<1024x49xf32>
    %sub3A_188 = arith.subf %sub3A_187, %sub3A_151 : vector<1024x49xf32>
    %sub3A_189 = arith.constant 1.000000e+00 : f32
    %sub3A_190 = vector.broadcast %sub3A_189 : f32 to vector<1024x49xf32>
    %sub3A_191 = arith.subf %sub3A_190, %sub3A_151 : vector<1024x49xf32>
    %concatenate3A_192 = tpu.concatenate %sub3A_188, %broadcast_in_dim3A_175, %sub3A_151, %broadcast_in_dim3A_175, %sub3A_191, %broadcast_in_dim3A_175, %sub3A_151, %broadcast_in_dim3A_175 in 1 : vector<1024x49xf32>, vector<1024x1xf32>, vector<1024x49xf32>, vector<1024x1xf32>, vector<1024x49xf32>, vector<1024x1xf32>, vector<1024x49xf32>, vector<1024x1xf32> -> vector<1024x200xf32>
    %swap3A_193 = arith.constant 0 : index
    %swap3A_194 = arith.constant 0 : index
    %swap3A_195 = vector.load %arg4[%swap3A_193, %swap3A_194] : memref<1024x200xf32, #tpu.memory_space<vmem>>, vector<1024x200xf32>
    tpu.vector_store %arg4[%swap3A_193, %swap3A_194], %concatenate3A_192 {strides = array<i32>} : memref<1024x200xf32, #tpu.memory_space<vmem>>, vector<1024x200xf32>,
    %concatenate3A_196 = tpu.concatenate %min3A_25, %min3A_35, %min3A_45, %min3A_55 in 1 : vector<1024x1xf32>, vector<1024x1xf32>, vector<1024x1xf32>, vector<1024x1xf32> -> vector<1024x4xf32>
    %swap3A_197 = arith.constant 0 : index
    %swap3A_198 = arith.constant 0 : index
    %swap3A_199 = vector.load %arg1[%swap3A_197, %swap3A_198] : memref<1024x4xf32, #tpu.memory_space<vmem>>, vector<1024x4xf32>
    tpu.vector_store %arg1[%swap3A_197, %swap3A_198], %concatenate3A_196 {strides = array<i32>} : memref<1024x4xf32, #tpu.memory_space<vmem>>, vector<1024x4xf32>,
    return
  }
}

module attributes {stable_mosaic.version = 14 : i64} {
  func.func @_head_body(%arg0: memref<1024x1024xf32, #tpu.memory_space<vmem>>, %arg1: memref<1024x1024xf32, #tpu.memory_space<vmem>>, %arg2: memref<1x1024xf32, #tpu.memory_space<vmem>>, %arg3: memref<1024x128xf32, #tpu.memory_space<vmem>>, %arg4: memref<1x128xf32, #tpu.memory_space<vmem>>, %arg5: memref<1024x512xf32, #tpu.memory_space<vmem>>, %arg6: memref<1x512xf32, #tpu.memory_space<vmem>>, %arg7: memref<1024x4xf32, #tpu.memory_space<vmem>>, %arg8: memref<128x8xf32, #tpu.memory_space<vmem>>, %arg9: memref<1024x1024xf32, #tpu.memory_space<vmem>>) attributes {dimension_semantics = [], scalar_prefetch = 0 : i64, scratch_operands = 1 : i64, tpu.core_type = #tpu.core_type<tc>} {
    %get3A = arith.constant 0 : index
    %get3A_0 = arith.constant 0 : index
    %get3A_1 = vector.load %arg0[%get3A, %get3A_0] : memref<1024x1024xf32, #tpu.memory_space<vmem>>, vector<1024x1024xf32>
    %get3A_2 = arith.constant 0 : index
    %get3A_3 = arith.constant 0 : index
    %get3A_4 = vector.load %arg1[%get3A_2, %get3A_3] : memref<1024x1024xf32, #tpu.memory_space<vmem>>, vector<1024x1024xf32>
    %dot_general3A = arith.constant dense<0.000000e+00> : vector<1024x1024xf32>
    %dot_general3A_5 = tpu.matmul %get3A_1, %get3A_4, %dot_general3A {dimension_numbers = #tpu.dot_dimension_numbers<[1], [0], [0], [1], [0, 0, 1, 1], [], []>, transpose_lhs_hint = false} : vector<1024x1024xf32>, vector<1024x1024xf32>, vector<1024x1024xf32> -> vector<1024x1024xf32>
    %get3A_6 = arith.constant 0 : index
    %get3A_7 = arith.constant 0 : index
    %get3A_8 = vector.load %arg2[%get3A_6, %get3A_7] : memref<1x1024xf32, #tpu.memory_space<vmem>>, vector<1x1024xf32>
    %add3A = vector.broadcast %get3A_8 : vector<1x1024xf32> to vector<1024x1024xf32>
    %add3A_9 = arith.addf %dot_general3A_5, %add3A : vector<1024x1024xf32>
    %max3A = arith.constant 0.000000e+00 : f32
    %max3A_10 = vector.broadcast %max3A : f32 to vector<1024x1024xf32>
    %max3A_11 = arith.maximumf %add3A_9, %max3A_10 : vector<1024x1024xf32>
    %get3A_12 = arith.constant 0 : index
    %get3A_13 = arith.constant 0 : index
    %get3A_14 = vector.load %arg3[%get3A_12, %get3A_13] : memref<1024x128xf32, #tpu.memory_space<vmem>>, vector<1024x128xf32>
    %dot_general3A_15 = arith.constant dense<0.000000e+00> : vector<1024x128xf32>
    %dot_general3A_16 = tpu.matmul %max3A_11, %get3A_14, %dot_general3A_15 {dimension_numbers = #tpu.dot_dimension_numbers<[1], [0], [0], [1], [0, 0, 1, 1], [], []>, transpose_lhs_hint = false} : vector<1024x1024xf32>, vector<1024x128xf32>, vector<1024x128xf32> -> vector<1024x128xf32>
    %get3A_17 = arith.constant 0 : index
    %get3A_18 = arith.constant 0 : index
    %get3A_19 = vector.load %arg4[%get3A_17, %get3A_18] : memref<1x128xf32, #tpu.memory_space<vmem>>, vector<1x128xf32>
    %add3A_20 = vector.broadcast %get3A_19 : vector<1x128xf32> to vector<1024x128xf32>
    %add3A_21 = arith.addf %dot_general3A_16, %add3A_20 : vector<1024x128xf32>
    %reduce_max3A = arith.constant dense<0xFF800000> : vector<1024xf32>
    %reduce_max3A_22 = vector.multi_reduction <maximumf>, %add3A_21, %reduce_max3A [1] : vector<1024x128xf32> to vector<1024xf32>
    %broadcast_in_dim3A = vector.shape_cast %reduce_max3A_22 : vector<1024xf32> to vector<1024x1xf32>
    %sub3A = vector.broadcast %broadcast_in_dim3A : vector<1024x1xf32> to vector<1024x128xf32>
    %sub3A_23 = arith.subf %add3A_21, %sub3A : vector<1024x128xf32>
    %exp3A = math.exp %sub3A_23 : vector<1024x128xf32>
    %reduce_sum3A = arith.constant dense<0.000000e+00> : vector<1024xf32>
    %reduce_sum3A_24 = vector.multi_reduction <add>, %exp3A, %reduce_sum3A [1] : vector<1024x128xf32> to vector<1024xf32>
    %broadcast_in_dim3A_25 = vector.shape_cast %reduce_sum3A_24 : vector<1024xf32> to vector<1024x1xf32>
    %div3A = vector.broadcast %broadcast_in_dim3A_25 : vector<1024x1xf32> to vector<1024x128xf32>
    %div3A_26 = arith.divf %exp3A, %div3A : vector<1024x128xf32>
    %iota3A = tpu.iota {dimensions = array<i32: 1>} : vector<1x128xi32>
    %lt3A = arith.constant 80 : i32
    %lt3A_27 = vector.broadcast %lt3A : i32 to vector<1x128xi32>
    %lt3A_28 = arith.cmpi slt, %iota3A, %lt3A_27 : vector<1x128xi32>
    %jit3A = arith.constant -1.000000e+00 : f32
    %broadcast_in_dim3A_29 = vector.shape_cast %lt3A_28 : vector<1x128xi1> to vector<1x128xi1>
    %broadcast_in_dim3A_30 = vector.broadcast %broadcast_in_dim3A_29 : vector<1x128xi1> to vector<1024x128xi1>
    %broadcast_in_dim3A_31 = vector.broadcast %jit3A : f32 to vector<1024x128xf32>
    %select_n3A = arith.select %broadcast_in_dim3A_30, %div3A_26, %broadcast_in_dim3A_31 : vector<1024x128xi1>, vector<1024x128xf32>
    %reduce_max3A_32 = arith.constant dense<0xFF800000> : vector<1024xf32>
    %reduce_max3A_33 = vector.multi_reduction <maximumf>, %select_n3A, %reduce_max3A_32 [1] : vector<1024x128xf32> to vector<1024xf32>
    %broadcast_in_dim3A_34 = vector.shape_cast %reduce_max3A_33 : vector<1024xf32> to vector<1024x1xf32>
    %eq3A = vector.broadcast %broadcast_in_dim3A_34 : vector<1024x1xf32> to vector<1024x128xf32>
    %eq3A_35 = arith.cmpf oeq, %select_n3A, %eq3A : vector<1024x128xf32>
    %jit3A_36 = arith.constant 10000 : i32
    %broadcast_in_dim3A_37 = vector.shape_cast %iota3A : vector<1x128xi32> to vector<1x128xi32>
    %broadcast_in_dim3A_38 = vector.broadcast %broadcast_in_dim3A_37 : vector<1x128xi32> to vector<1024x128xi32>
    %broadcast_in_dim3A_39 = vector.broadcast %jit3A_36 : i32 to vector<1024x128xi32>
    %select_n3A_40 = arith.select %eq3A_35, %broadcast_in_dim3A_38, %broadcast_in_dim3A_39 : vector<1024x128xi1>, vector<1024x128xi32>
    %reduce_min3A = arith.constant dense<2147483647> : vector<1024xi32>
    %reduce_min3A_41 = vector.multi_reduction <minsi>, %select_n3A_40, %reduce_min3A [1] : vector<1024x128xi32> to vector<1024xi32>
    %broadcast_in_dim3A_42 = vector.shape_cast %reduce_min3A_41 : vector<1024xi32> to vector<1024x1xi32>
    %eq3A_43 = vector.broadcast %iota3A : vector<1x128xi32> to vector<1024x128xi32>
    %eq3A_44 = vector.broadcast %broadcast_in_dim3A_42 : vector<1024x1xi32> to vector<1024x128xi32>
    %eq3A_45 = arith.cmpi eq, %eq3A_43, %eq3A_44 : vector<1024x128xi32>
    %convert_element_type3A = arith.extui %eq3A_45 : vector<1024x128xi1> to vector<1024x128xi32>
    %convert_element_type3A_46 = arith.sitofp %convert_element_type3A : vector<1024x128xi32> to vector<1024x128xf32>
    %mul3A = arith.mulf %convert_element_type3A_46, %div3A_26 : vector<1024x128xf32>
    %reduce_sum3A_47 = arith.constant dense<0.000000e+00> : vector<1024xf32>
    %reduce_sum3A_48 = vector.multi_reduction <add>, %mul3A, %reduce_sum3A_47 [1] : vector<1024x128xf32> to vector<1024xf32>
    %broadcast_in_dim3A_49 = vector.shape_cast %reduce_sum3A_48 : vector<1024xf32> to vector<1024x1xf32>
    %get3A_50 = arith.constant 0 : index
    %get3A_51 = arith.constant 0 : index
    %get3A_52 = vector.load %arg5[%get3A_50, %get3A_51] : memref<1024x512xf32, #tpu.memory_space<vmem>>, vector<1024x512xf32>
    %dot_general3A_53 = arith.constant dense<0.000000e+00> : vector<1024x512xf32>
    %dot_general3A_54 = tpu.matmul %max3A_11, %get3A_52, %dot_general3A_53 {dimension_numbers = #tpu.dot_dimension_numbers<[1], [0], [0], [1], [0, 0, 1, 1], [], []>, transpose_lhs_hint = false} : vector<1024x1024xf32>, vector<1024x512xf32>, vector<1024x512xf32> -> vector<1024x512xf32>
    %get3A_55 = arith.constant 0 : index
    %get3A_56 = arith.constant 0 : index
    %get3A_57 = vector.load %arg6[%get3A_55, %get3A_56] : memref<1x512xf32, #tpu.memory_space<vmem>>, vector<1x512xf32>
    %add3A_58 = vector.broadcast %get3A_57 : vector<1x512xf32> to vector<1024x512xf32>
    %add3A_59 = arith.addf %dot_general3A_54, %add3A_58 : vector<1024x512xf32>
    %slice3A = vector.extract_strided_slice %add3A_59 {offsets = [0, 0], sizes = [1024, 128], strides = [1, 1]} : vector<1024x512xf32> to vector<1024x128xf32>
    %mul3A_60 = arith.mulf %convert_element_type3A_46, %slice3A : vector<1024x128xf32>
    %reduce_sum3A_61 = arith.constant dense<0.000000e+00> : vector<1024xf32>
    %reduce_sum3A_62 = vector.multi_reduction <add>, %mul3A_60, %reduce_sum3A_61 [1] : vector<1024x128xf32> to vector<1024xf32>
    %broadcast_in_dim3A_63 = vector.shape_cast %reduce_sum3A_62 : vector<1024xf32> to vector<1024x1xf32>
    %slice3A_64 = vector.extract_strided_slice %add3A_59 {offsets = [0, 128], sizes = [1024, 128], strides = [1, 1]} : vector<1024x512xf32> to vector<1024x128xf32>
    %mul3A_65 = arith.mulf %convert_element_type3A_46, %slice3A_64 : vector<1024x128xf32>
    %reduce_sum3A_66 = arith.constant dense<0.000000e+00> : vector<1024xf32>
    %reduce_sum3A_67 = vector.multi_reduction <add>, %mul3A_65, %reduce_sum3A_66 [1] : vector<1024x128xf32> to vector<1024xf32>
    %broadcast_in_dim3A_68 = vector.shape_cast %reduce_sum3A_67 : vector<1024xf32> to vector<1024x1xf32>
    %slice3A_69 = vector.extract_strided_slice %add3A_59 {offsets = [0, 256], sizes = [1024, 128], strides = [1, 1]} : vector<1024x512xf32> to vector<1024x128xf32>
    %mul3A_70 = arith.mulf %convert_element_type3A_46, %slice3A_69 : vector<1024x128xf32>
    %reduce_sum3A_71 = arith.constant dense<0.000000e+00> : vector<1024xf32>
    %reduce_sum3A_72 = vector.multi_reduction <add>, %mul3A_70, %reduce_sum3A_71 [1] : vector<1024x128xf32> to vector<1024xf32>
    %broadcast_in_dim3A_73 = vector.shape_cast %reduce_sum3A_72 : vector<1024xf32> to vector<1024x1xf32>
    %slice3A_74 = vector.extract_strided_slice %add3A_59 {offsets = [0, 384], sizes = [1024, 128], strides = [1, 1]} : vector<1024x512xf32> to vector<1024x128xf32>
    %mul3A_75 = arith.mulf %convert_element_type3A_46, %slice3A_74 : vector<1024x128xf32>
    %reduce_sum3A_76 = arith.constant dense<0.000000e+00> : vector<1024xf32>
    %reduce_sum3A_77 = vector.multi_reduction <add>, %mul3A_75, %reduce_sum3A_76 [1] : vector<1024x128xf32> to vector<1024xf32>
    %broadcast_in_dim3A_78 = vector.shape_cast %reduce_sum3A_77 : vector<1024xf32> to vector<1024x1xf32>
    %get3A_79 = arith.constant 0 : index
    %get3A_80 = arith.constant 0 : index
    %get3A_81 = vector.load %arg7[%get3A_79, %get3A_80] : memref<1024x4xf32, #tpu.memory_space<vmem>>, vector<1024x4xf32>
    %slice3A_82 = vector.extract_strided_slice %get3A_81 {offsets = [0, 2], sizes = [1024, 1], strides = [1, 1]} : vector<1024x4xf32> to vector<1024x1xf32>
    %slice3A_83 = vector.extract_strided_slice %get3A_81 {offsets = [0, 0], sizes = [1024, 1], strides = [1, 1]} : vector<1024x4xf32> to vector<1024x1xf32>
    %sub3A_84 = arith.subf %slice3A_82, %slice3A_83 : vector<1024x1xf32>
    %slice3A_85 = vector.extract_strided_slice %get3A_81 {offsets = [0, 3], sizes = [1024, 1], strides = [1, 1]} : vector<1024x4xf32> to vector<1024x1xf32>
    %slice3A_86 = vector.extract_strided_slice %get3A_81 {offsets = [0, 1], sizes = [1024, 1], strides = [1, 1]} : vector<1024x4xf32> to vector<1024x1xf32>
    %sub3A_87 = arith.subf %slice3A_85, %slice3A_86 : vector<1024x1xf32>
    %slice3A_88 = vector.extract_strided_slice %get3A_81 {offsets = [0, 0], sizes = [1024, 1], strides = [1, 1]} : vector<1024x4xf32> to vector<1024x1xf32>
    %mul3A_89 = arith.constant 5.000000e-01 : f32
    %mul3A_90 = vector.broadcast %mul3A_89 : f32 to vector<1024x1xf32>
    %mul3A_91 = arith.mulf %mul3A_90, %sub3A_84 : vector<1024x1xf32>
    %add3A_92 = arith.addf %slice3A_88, %mul3A_91 : vector<1024x1xf32>
    %slice3A_93 = vector.extract_strided_slice %get3A_81 {offsets = [0, 1], sizes = [1024, 1], strides = [1, 1]} : vector<1024x4xf32> to vector<1024x1xf32>
    %mul3A_94 = arith.constant 5.000000e-01 : f32
    %mul3A_95 = vector.broadcast %mul3A_94 : f32 to vector<1024x1xf32>
    %mul3A_96 = arith.mulf %mul3A_95, %sub3A_87 : vector<1024x1xf32>
    %add3A_97 = arith.addf %slice3A_93, %mul3A_96 : vector<1024x1xf32>
    %div3A_98 = arith.constant 1.000000e+01 : f32
    %div3A_99 = vector.broadcast %div3A_98 : f32 to vector<1024x1xf32>
    %div3A_100 = arith.divf %broadcast_in_dim3A_63, %div3A_99 : vector<1024x1xf32>
    %div3A_101 = arith.constant 1.000000e+01 : f32
    %div3A_102 = vector.broadcast %div3A_101 : f32 to vector<1024x1xf32>
    %div3A_103 = arith.divf %broadcast_in_dim3A_68, %div3A_102 : vector<1024x1xf32>
    %div3A_104 = arith.constant 5.000000e+00 : f32
    %div3A_105 = vector.broadcast %div3A_104 : f32 to vector<1024x1xf32>
    %div3A_106 = arith.divf %broadcast_in_dim3A_73, %div3A_105 : vector<1024x1xf32>
    %jit3A_107 = arith.constant -4.000000e+00 : f32
    %jit3A_108 = arith.constant 4.000000e+00 : f32
    %max3A_109 = vector.broadcast %jit3A_107 : f32 to vector<1024x1xf32>
    %max3A_110 = arith.maximumf %max3A_109, %div3A_106 : vector<1024x1xf32>
    %min3A = vector.broadcast %jit3A_108 : f32 to vector<1024x1xf32>
    %min3A_111 = arith.minimumf %min3A, %max3A_110 : vector<1024x1xf32>
    %div3A_112 = arith.constant 5.000000e+00 : f32
    %div3A_113 = vector.broadcast %div3A_112 : f32 to vector<1024x1xf32>
    %div3A_114 = arith.divf %broadcast_in_dim3A_78, %div3A_113 : vector<1024x1xf32>
    %jit3A_115 = arith.constant -4.000000e+00 : f32
    %jit3A_116 = arith.constant 4.000000e+00 : f32
    %max3A_117 = vector.broadcast %jit3A_115 : f32 to vector<1024x1xf32>
    %max3A_118 = arith.maximumf %max3A_117, %div3A_114 : vector<1024x1xf32>
    %min3A_119 = vector.broadcast %jit3A_116 : f32 to vector<1024x1xf32>
    %min3A_120 = arith.minimumf %min3A_119, %max3A_118 : vector<1024x1xf32>
    %mul3A_121 = arith.mulf %div3A_100, %sub3A_84 : vector<1024x1xf32>
    %add3A_122 = arith.addf %mul3A_121, %add3A_92 : vector<1024x1xf32>
    %mul3A_123 = arith.mulf %div3A_103, %sub3A_87 : vector<1024x1xf32>
    %add3A_124 = arith.addf %mul3A_123, %add3A_97 : vector<1024x1xf32>
    %exp3A_125 = math.exp %min3A_111 : vector<1024x1xf32>
    %mul3A_126 = arith.mulf %exp3A_125, %sub3A_84 : vector<1024x1xf32>
    %exp3A_127 = math.exp %min3A_120 : vector<1024x1xf32>
    %mul3A_128 = arith.mulf %exp3A_127, %sub3A_87 : vector<1024x1xf32>
    %mul3A_129 = arith.constant 5.000000e-01 : f32
    %mul3A_130 = vector.broadcast %mul3A_129 : f32 to vector<1024x1xf32>
    %mul3A_131 = arith.mulf %mul3A_130, %mul3A_126 : vector<1024x1xf32>
    %sub3A_132 = arith.subf %add3A_122, %mul3A_131 : vector<1024x1xf32>
    %jit3A_133 = arith.constant 0.000000e+00 : f32
    %jit3A_134 = arith.constant 3.030000e+02 : f32
    %max3A_135 = vector.broadcast %jit3A_133 : f32 to vector<1024x1xf32>
    %max3A_136 = arith.maximumf %max3A_135, %sub3A_132 : vector<1024x1xf32>
    %min3A_137 = vector.broadcast %jit3A_134 : f32 to vector<1024x1xf32>
    %min3A_138 = arith.minimumf %min3A_137, %max3A_136 : vector<1024x1xf32>
    %mul3A_139 = arith.constant 5.000000e-01 : f32
    %mul3A_140 = vector.broadcast %mul3A_139 : f32 to vector<1024x1xf32>
    %mul3A_141 = arith.mulf %mul3A_140, %mul3A_128 : vector<1024x1xf32>
    %sub3A_142 = arith.subf %add3A_124, %mul3A_141 : vector<1024x1xf32>
    %jit3A_143 = arith.constant 0.000000e+00 : f32
    %jit3A_144 = arith.constant 3.030000e+02 : f32
    %max3A_145 = vector.broadcast %jit3A_143 : f32 to vector<1024x1xf32>
    %max3A_146 = arith.maximumf %max3A_145, %sub3A_142 : vector<1024x1xf32>
    %min3A_147 = vector.broadcast %jit3A_144 : f32 to vector<1024x1xf32>
    %min3A_148 = arith.minimumf %min3A_147, %max3A_146 : vector<1024x1xf32>
    %mul3A_149 = arith.constant 5.000000e-01 : f32
    %mul3A_150 = vector.broadcast %mul3A_149 : f32 to vector<1024x1xf32>
    %mul3A_151 = arith.mulf %mul3A_150, %mul3A_126 : vector<1024x1xf32>
    %add3A_152 = arith.addf %add3A_122, %mul3A_151 : vector<1024x1xf32>
    %jit3A_153 = arith.constant 0.000000e+00 : f32
    %jit3A_154 = arith.constant 3.030000e+02 : f32
    %max3A_155 = vector.broadcast %jit3A_153 : f32 to vector<1024x1xf32>
    %max3A_156 = arith.maximumf %max3A_155, %add3A_152 : vector<1024x1xf32>
    %min3A_157 = vector.broadcast %jit3A_154 : f32 to vector<1024x1xf32>
    %min3A_158 = arith.minimumf %min3A_157, %max3A_156 : vector<1024x1xf32>
    %mul3A_159 = arith.constant 5.000000e-01 : f32
    %mul3A_160 = vector.broadcast %mul3A_159 : f32 to vector<1024x1xf32>
    %mul3A_161 = arith.mulf %mul3A_160, %mul3A_128 : vector<1024x1xf32>
    %add3A_162 = arith.addf %add3A_124, %mul3A_161 : vector<1024x1xf32>
    %jit3A_163 = arith.constant 0.000000e+00 : f32
    %jit3A_164 = arith.constant 3.030000e+02 : f32
    %max3A_165 = vector.broadcast %jit3A_163 : f32 to vector<1024x1xf32>
    %max3A_166 = arith.maximumf %max3A_165, %add3A_162 : vector<1024x1xf32>
    %min3A_167 = vector.broadcast %jit3A_164 : f32 to vector<1024x1xf32>
    %min3A_168 = arith.minimumf %min3A_167, %max3A_166 : vector<1024x1xf32>
    %iota3A_169 = tpu.iota {dimensions = array<i32: 0>} : vector<1024x1xi32>
    %gt3A = arith.constant 5.000000e-02 : f32
    %gt3A_170 = vector.broadcast %gt3A : f32 to vector<1024x1xf32>
    %gt3A_171 = arith.cmpf ogt, %broadcast_in_dim3A_49, %gt3A_170 : vector<1024x1xf32>
    %jit3A_172 = arith.constant 0.000000e+00 : f32
    %broadcast_in_dim3A_173 = vector.broadcast %jit3A_172 : f32 to vector<1024x1xf32>
    %select_n3A_174 = arith.select %gt3A_171, %broadcast_in_dim3A_49, %broadcast_in_dim3A_173 : vector<1024x1xi1>, vector<1024x1xf32>
    %lt3A_175 = arith.constant 1000 : i32
    %lt3A_176 = vector.broadcast %lt3A_175 : i32 to vector<1024x1xi32>
    %lt3A_177 = arith.cmpi slt, %iota3A_169, %lt3A_176 : vector<1024x1xi32>
    %jit3A_178 = arith.constant -1.000000e+00 : f32
    %broadcast_in_dim3A_179 = vector.broadcast %jit3A_178 : f32 to vector<1024x1xf32>
    %select_n3A_180 = arith.select %lt3A_177, %select_n3A_174, %broadcast_in_dim3A_179 : vector<1024x1xi1>, vector<1024x1xf32>
    %iota3A_181 = tpu.iota {dimensions = array<i32: 0>} : vector<1024x1024xi32>
    %iota3A_182 = tpu.iota {dimensions = array<i32: 1>} : vector<1024x1024xi32>
    %broadcast_in_dim3A_183 = arith.constant 0.000000e+00 : f32
    %broadcast_in_dim3A_184 = vector.broadcast %broadcast_in_dim3A_183 : f32 to vector<1024x3xf32>
    %concatenate3A = tpu.concatenate %min3A_138, %min3A_148, %min3A_158, %min3A_168, %select_n3A_180, %broadcast_in_dim3A_184 in 1 : vector<1024x1xf32>, vector<1024x1xf32>, vector<1024x1xf32>, vector<1024x1xf32>, vector<1024x1xf32>, vector<1024x3xf32> -> vector<1024x8xf32>
    %transpose3A = tpu.transpose %concatenate3A, [1, 0] : vector<1024x8xf32> -> vector<8x1024xf32>
    %slice3A_185 = vector.extract_strided_slice %transpose3A {offsets = [4, 0], sizes = [1, 1024], strides = [1, 1]} : vector<8x1024xf32> to vector<1x1024xf32>
    %gt3A_186 = vector.broadcast %slice3A_185 : vector<1x1024xf32> to vector<1024x1024xf32>
    %gt3A_187 = vector.broadcast %select_n3A_180 : vector<1024x1xf32> to vector<1024x1024xf32>
    %gt3A_188 = arith.cmpf ogt, %gt3A_186, %gt3A_187 : vector<1024x1024xf32>
    %convert_element_type3A_189 = arith.extui %gt3A_188 : vector<1024x1024xi1> to vector<1024x1024xi32>
    %convert_element_type3A_190 = arith.sitofp %convert_element_type3A_189 : vector<1024x1024xi32> to vector<1024x1024xf32>
    %eq3A_191 = vector.broadcast %slice3A_185 : vector<1x1024xf32> to vector<1024x1024xf32>
    %eq3A_192 = vector.broadcast %select_n3A_180 : vector<1024x1xf32> to vector<1024x1024xf32>
    %eq3A_193 = arith.cmpf oeq, %eq3A_191, %eq3A_192 : vector<1024x1024xf32>
    %lt3A_194 = arith.cmpi slt, %iota3A_182, %iota3A_181 : vector<1024x1024xi32>
    %and3A = arith.andi %eq3A_193, %lt3A_194 : vector<1024x1024xi1>
    %convert_element_type3A_195 = arith.extui %and3A : vector<1024x1024xi1> to vector<1024x1024xi32>
    %convert_element_type3A_196 = arith.sitofp %convert_element_type3A_195 : vector<1024x1024xi32> to vector<1024x1024xf32>
    %add3A_197 = arith.addf %convert_element_type3A_190, %convert_element_type3A_196 : vector<1024x1024xf32>
    %reduce_sum3A_198 = arith.constant dense<0.000000e+00> : vector<1024xf32>
    %reduce_sum3A_199 = vector.multi_reduction <add>, %add3A_197, %reduce_sum3A_198 [1] : vector<1024x1024xf32> to vector<1024xf32>
    %broadcast_in_dim3A_200 = vector.shape_cast %reduce_sum3A_199 : vector<1024xf32> to vector<1024x1xf32>
    %transpose3A_201 = tpu.transpose %broadcast_in_dim3A_200, [1, 0] : vector<1024x1xf32> -> vector<1x1024xf32>
    %convert_element_type3A_202 = arith.sitofp %iota3A_181 : vector<1024x1024xi32> to vector<1024x1024xf32>
    %eq3A_203 = vector.broadcast %transpose3A_201 : vector<1x1024xf32> to vector<1024x1024xf32>
    %eq3A_204 = arith.cmpf oeq, %convert_element_type3A_202, %eq3A_203 : vector<1024x1024xf32>
    %convert_element_type3A_205 = arith.extui %eq3A_204 : vector<1024x1024xi1> to vector<1024x1024xi32>
    %convert_element_type3A_206 = arith.sitofp %convert_element_type3A_205 : vector<1024x1024xi32> to vector<1024x1024xf32>
    %dot_general3A_207 = arith.constant dense<0.000000e+00> : vector<1024x8xf32>
    %dot_general3A_208 = tpu.matmul %convert_element_type3A_206, %concatenate3A, %dot_general3A_207 {dimension_numbers = #tpu.dot_dimension_numbers<[1], [0], [0], [1], [0, 0, 1, 1], [], []>, transpose_lhs_hint = false} : vector<1024x1024xf32>, vector<1024x8xf32>, vector<1024x8xf32> -> vector<1024x8xf32>
    %concatenate3A_209 = tpu.concatenate %min3A_138, %min3A_148, %min3A_158, %min3A_168 in 1 : vector<1024x1xf32>, vector<1024x1xf32>, vector<1024x1xf32>, vector<1024x1xf32> -> vector<1024x4xf32>
    %transpose3A_210 = tpu.transpose %concatenate3A_209, [1, 0] : vector<1024x4xf32> -> vector<4x1024xf32>
    %sub3A_211 = arith.subf %min3A_158, %min3A_138 : vector<1024x1xf32>
    %sub3A_212 = arith.subf %min3A_168, %min3A_148 : vector<1024x1xf32>
    %mul3A_213 = arith.mulf %sub3A_211, %sub3A_212 : vector<1024x1xf32>
    %slice3A_214 = vector.extract_strided_slice %transpose3A_210 {offsets = [0, 0], sizes = [1, 1024], strides = [1, 1]} : vector<4x1024xf32> to vector<1x1024xf32>
    %max3A_215 = vector.broadcast %min3A_138 : vector<1024x1xf32> to vector<1024x1024xf32>
    %max3A_216 = vector.broadcast %slice3A_214 : vector<1x1024xf32> to vector<1024x1024xf32>
    %max3A_217 = arith.maximumf %max3A_215, %max3A_216 : vector<1024x1024xf32>
    %slice3A_218 = vector.extract_strided_slice %transpose3A_210 {offsets = [1, 0], sizes = [1, 1024], strides = [1, 1]} : vector<4x1024xf32> to vector<1x1024xf32>
    %max3A_219 = vector.broadcast %min3A_148 : vector<1024x1xf32> to vector<1024x1024xf32>
    %max3A_220 = vector.broadcast %slice3A_218 : vector<1x1024xf32> to vector<1024x1024xf32>
    %max3A_221 = arith.maximumf %max3A_219, %max3A_220 : vector<1024x1024xf32>
    %slice3A_222 = vector.extract_strided_slice %transpose3A_210 {offsets = [2, 0], sizes = [1, 1024], strides = [1, 1]} : vector<4x1024xf32> to vector<1x1024xf32>
    %min3A_223 = vector.broadcast %min3A_158 : vector<1024x1xf32> to vector<1024x1024xf32>
    %min3A_224 = vector.broadcast %slice3A_222 : vector<1x1024xf32> to vector<1024x1024xf32>
    %min3A_225 = arith.minimumf %min3A_223, %min3A_224 : vector<1024x1024xf32>
    %slice3A_226 = vector.extract_strided_slice %transpose3A_210 {offsets = [3, 0], sizes = [1, 1024], strides = [1, 1]} : vector<4x1024xf32> to vector<1x1024xf32>
    %min3A_227 = vector.broadcast %min3A_168 : vector<1024x1xf32> to vector<1024x1024xf32>
    %min3A_228 = vector.broadcast %slice3A_226 : vector<1x1024xf32> to vector<1024x1024xf32>
    %min3A_229 = arith.minimumf %min3A_227, %min3A_228 : vector<1024x1024xf32>
    %sub3A_230 = arith.subf %min3A_225, %max3A_217 : vector<1024x1024xf32>
    %max3A_231 = arith.constant 0.000000e+00 : f32
    %max3A_232 = vector.broadcast %max3A_231 : f32 to vector<1024x1024xf32>
    %max3A_233 = arith.maximumf %sub3A_230, %max3A_232 : vector<1024x1024xf32>
    %sub3A_234 = arith.subf %min3A_229, %max3A_221 : vector<1024x1024xf32>
    %max3A_235 = arith.constant 0.000000e+00 : f32
    %max3A_236 = vector.broadcast %max3A_235 : f32 to vector<1024x1024xf32>
    %max3A_237 = arith.maximumf %sub3A_234, %max3A_236 : vector<1024x1024xf32>
    %mul3A_238 = arith.mulf %max3A_233, %max3A_237 : vector<1024x1024xf32>
    %slice3A_239 = vector.extract_strided_slice %transpose3A_210 {offsets = [2, 0], sizes = [1, 1024], strides = [1, 1]} : vector<4x1024xf32> to vector<1x1024xf32>
    %slice3A_240 = vector.extract_strided_slice %transpose3A_210 {offsets = [0, 0], sizes = [1, 1024], strides = [1, 1]} : vector<4x1024xf32> to vector<1x1024xf32>
    %sub3A_241 = arith.subf %slice3A_239, %slice3A_240 : vector<1x1024xf32>
    %slice3A_242 = vector.extract_strided_slice %transpose3A_210 {offsets = [3, 0], sizes = [1, 1024], strides = [1, 1]} : vector<4x1024xf32> to vector<1x1024xf32>
    %slice3A_243 = vector.extract_strided_slice %transpose3A_210 {offsets = [1, 0], sizes = [1, 1024], strides = [1, 1]} : vector<4x1024xf32> to vector<1x1024xf32>
    %sub3A_244 = arith.subf %slice3A_242, %slice3A_243 : vector<1x1024xf32>
    %mul3A_245 = arith.mulf %sub3A_241, %sub3A_244 : vector<1x1024xf32>
    %add3A_246 = vector.broadcast %mul3A_213 : vector<1024x1xf32> to vector<1024x1024xf32>
    %add3A_247 = vector.broadcast %mul3A_245 : vector<1x1024xf32> to vector<1024x1024xf32>
    %add3A_248 = arith.addf %add3A_246, %add3A_247 : vector<1024x1024xf32>
    %sub3A_249 = arith.subf %add3A_248, %mul3A_238 : vector<1024x1024xf32>
    %add3A_250 = arith.constant 9.99999971E-10 : f32
    %add3A_251 = vector.broadcast %add3A_250 : f32 to vector<1024x1024xf32>
    %add3A_252 = arith.addf %sub3A_249, %add3A_251 : vector<1024x1024xf32>
    %div3A_253 = arith.divf %mul3A_238, %add3A_252 : vector<1024x1024xf32>
    %gt3A_254 = vector.broadcast %transpose3A_201 : vector<1x1024xf32> to vector<1024x1024xf32>
    %gt3A_255 = vector.broadcast %broadcast_in_dim3A_200 : vector<1024x1xf32> to vector<1024x1024xf32>
    %gt3A_256 = arith.cmpf ogt, %gt3A_254, %gt3A_255 : vector<1024x1024xf32>
    %gt3A_257 = arith.constant 5.000000e-01 : f32
    %gt3A_258 = vector.broadcast %gt3A_257 : f32 to vector<1024x1024xf32>
    %gt3A_259 = arith.cmpf ogt, %div3A_253, %gt3A_258 : vector<1024x1024xf32>
    %and3A_260 = arith.andi %gt3A_259, %gt3A_256 : vector<1024x1024xi1>
    %convert_element_type3A_261 = arith.extui %and3A_260 : vector<1024x1024xi1> to vector<1024x1024xi32>
    %convert_element_type3A_262 = arith.sitofp %convert_element_type3A_261 : vector<1024x1024xi32> to vector<1024x1024xf32>
    %convert_element_type3A_263 = arith.sitofp %iota3A_182 : vector<1024x1024xi32> to vector<1024x1024xf32>
    %eq3A_264 = vector.broadcast %broadcast_in_dim3A_200 : vector<1024x1xf32> to vector<1024x1024xf32>
    %eq3A_265 = arith.cmpf oeq, %eq3A_264, %convert_element_type3A_263 : vector<1024x1024xf32>
    %convert_element_type3A_266 = arith.extui %eq3A_265 : vector<1024x1024xi1> to vector<1024x1024xi32>
    %convert_element_type3A_267 = arith.sitofp %convert_element_type3A_266 : vector<1024x1024xi32> to vector<1024x1024xf32>
    %dot_general3A_268 = arith.constant dense<0.000000e+00> : vector<1024x1024xf32>
    %dot_general3A_269 = tpu.matmul %convert_element_type3A_206, %convert_element_type3A_262, %dot_general3A_268 {dimension_numbers = #tpu.dot_dimension_numbers<[1], [0], [0], [1], [0, 0, 1, 1], [], []>, transpose_lhs_hint = false} : vector<1024x1024xf32>, vector<1024x1024xf32>, vector<1024x1024xf32> -> vector<1024x1024xf32>
    %dot_general3A_270 = arith.constant dense<0.000000e+00> : vector<1024x1024xf32>
    %dot_general3A_271 = tpu.matmul %dot_general3A_269, %convert_element_type3A_267, %dot_general3A_270 {dimension_numbers = #tpu.dot_dimension_numbers<[1], [0], [0], [1], [0, 0, 1, 1], [], []>, transpose_lhs_hint = false} : vector<1024x1024xf32>, vector<1024x1024xf32>, vector<1024x1024xf32> -> vector<1024x1024xf32>
    %swap3A = arith.constant 0 : index
    %swap3A_272 = arith.constant 0 : index
    %swap3A_273 = vector.load %arg9[%swap3A, %swap3A_272] : memref<1024x1024xf32, #tpu.memory_space<vmem>>, vector<1024x1024xf32>
    tpu.vector_store %arg9[%swap3A, %swap3A_272], %dot_general3A_271 {strides = array<i32>} : memref<1024x1024xf32, #tpu.memory_space<vmem>>, vector<1024x1024xf32>,
    %iota3A_274 = tpu.iota {dimensions = array<i32: 1>} : vector<1x1024xi32>
    %broadcast_in_dim3A_275 = arith.constant 1.000000e+00 : f32
    %broadcast_in_dim3A_276 = vector.broadcast %broadcast_in_dim3A_275 : f32 to vector<1x1024xf32>
    %scan3A = arith.constant 0 : i32
    %scan3A_277 = arith.constant 1000 : i32
    %scan3A_278 = arith.addi %scan3A, %scan3A_277 : i32
    %scan3A_279 = arith.constant 1 : i32
    %scan3A_280 = scf.for %scan3A_328 = %scan3A to %scan3A_278 step %scan3A_279 iter_args(%scan3A_329 = %broadcast_in_dim3A_276) -> (vector<1x1024xf32>)  : i32 {
      %eq3A_330 = vector.broadcast %scan3A_328 : i32 to vector<1x1024xi32>
      %eq3A_331 = arith.cmpi eq, %iota3A_274, %eq3A_330 : vector<1x1024xi32>
      %convert_element_type3A_332 = arith.extui %eq3A_331 : vector<1x1024xi1> to vector<1x1024xi32>
      %convert_element_type3A_333 = arith.sitofp %convert_element_type3A_332 : vector<1x1024xi32> to vector<1x1024xf32>
      %mul3A_334 = arith.mulf %scan3A_329, %convert_element_type3A_333 : vector<1x1024xf32>
      %reduce_sum3A_335 = vector.shape_cast %mul3A_334 : vector<1x1024xf32> to vector<1x1x1024xf32>
      %reduce_sum3A_336 = arith.constant dense<0.000000e+00> : vector<1xf32>
      %reduce_sum3A_337 = vector.multi_reduction <add>, %reduce_sum3A_335, %reduce_sum3A_336 [1, 2] : vector<1x1x1024xf32> to vector<1xf32>
      %reduce_sum3A_338 = vector.shape_cast %reduce_sum3A_337 : vector<1xf32> to vector<1x1x1xf32>
      %reduce_sum3A_339 = vector.extract %reduce_sum3A_338[0, 0, 0] : f32 from vector<1x1x1xf32>
      %get3A_340 = arith.index_cast %scan3A_328 : i32 to index
      %get3A_341 = arith.constant 0 : index
      %get3A_342 = vector.load %arg9[%get3A_340, %get3A_341] : memref<1024x1024xf32, #tpu.memory_space<vmem>>, vector<1x1024xf32>
      %mul3A_343 = vector.broadcast %reduce_sum3A_339 : f32 to vector<1x1024xf32>
      %mul3A_344 = arith.mulf %mul3A_343, %get3A_342 : vector<1x1024xf32>
      %sub3A_345 = arith.constant 1.000000e+00 : f32
      %sub3A_346 = vector.broadcast %sub3A_345 : f32 to vector<1x1024xf32>
      %sub3A_347 = arith.subf %sub3A_346, %mul3A_344 : vector<1x1024xf32>
      %mul3A_348 = arith.mulf %scan3A_329, %sub3A_347 : vector<1x1024xf32>
      scf.yield %mul3A_348 : vector<1x1024xf32>
    }
    %scan3A_281 = arith.constant 1000 : i32
    %lt3A_282 = arith.constant 1000 : i32
    %lt3A_283 = vector.broadcast %lt3A_282 : i32 to vector<1x1024xi32>
    %lt3A_284 = arith.cmpi slt, %iota3A_274, %lt3A_283 : vector<1x1024xi32>
    %convert_element_type3A_285 = arith.extui %lt3A_284 : vector<1x1024xi1> to vector<1x1024xi32>
    %convert_element_type3A_286 = arith.sitofp %convert_element_type3A_285 : vector<1x1024xi32> to vector<1x1024xf32>
    %mul3A_287 = arith.mulf %scan3A_280, %convert_element_type3A_286 : vector<1x1024xf32>
    %sub3A_288 = arith.constant 1.000000e+00 : f32
    %sub3A_289 = vector.broadcast %sub3A_288 : f32 to vector<1x1024xf32>
    %sub3A_290 = arith.subf %sub3A_289, %scan3A_280 : vector<1x1024xf32>
    %mul3A_291 = arith.mulf %sub3A_290, %convert_element_type3A_286 : vector<1x1024xf32>
    %lt3A_292 = arith.cmpi slt, %iota3A_181, %iota3A_182 : vector<1024x1024xi32>
    %convert_element_type3A_293 = arith.extui %lt3A_292 : vector<1024x1024xi1> to vector<1024x1024xi32>
    %convert_element_type3A_294 = arith.sitofp %convert_element_type3A_293 : vector<1024x1024xi32> to vector<1024x1024xf32>
    %dot_general3A_295 = arith.constant dense<0.000000e+00> : vector<1x1024xf32>
    %dot_general3A_296 = tpu.matmul %mul3A_287, %convert_element_type3A_294, %dot_general3A_295 {dimension_numbers = #tpu.dot_dimension_numbers<[1], [0], [0], [1], [0, 0, 1, 1], [], []>, transpose_lhs_hint = false} : vector<1x1024xf32>, vector<1024x1024xf32>, vector<1x1024xf32> -> vector<1x1024xf32>
    %dot_general3A_297 = arith.constant dense<0.000000e+00> : vector<1x1024xf32>
    %dot_general3A_298 = tpu.matmul %mul3A_291, %convert_element_type3A_294, %dot_general3A_297 {dimension_numbers = #tpu.dot_dimension_numbers<[1], [0], [0], [1], [0, 0, 1, 1], [], []>, transpose_lhs_hint = false} : vector<1x1024xf32>, vector<1024x1024xf32>, vector<1x1024xf32> -> vector<1x1024xf32>
    %reduce_sum3A_299 = vector.shape_cast %mul3A_287 : vector<1x1024xf32> to vector<1x1x1024xf32>
    %reduce_sum3A_300 = arith.constant dense<0.000000e+00> : vector<1xf32>
    %reduce_sum3A_301 = vector.multi_reduction <add>, %reduce_sum3A_299, %reduce_sum3A_300 [1, 2] : vector<1x1x1024xf32> to vector<1xf32>
    %reduce_sum3A_302 = vector.shape_cast %reduce_sum3A_301 : vector<1xf32> to vector<1x1x1xf32>
    %reduce_sum3A_303 = vector.extract %reduce_sum3A_302[0, 0, 0] : f32 from vector<1x1x1xf32>
    %gt3A_304 = arith.constant 0.000000e+00 : f32
    %gt3A_305 = vector.broadcast %gt3A_304 : f32 to vector<1x1024xf32>
    %gt3A_306 = arith.cmpf ogt, %mul3A_287, %gt3A_305 : vector<1x1024xf32>
    %gt3A_307 = arith.constant 0.000000e+00 : f32
    %gt3A_308 = vector.broadcast %gt3A_307 : f32 to vector<1x1024xf32>
    %gt3A_309 = arith.cmpf ogt, %mul3A_291, %gt3A_308 : vector<1x1024xf32>
    %add3A_310 = vector.broadcast %reduce_sum3A_303 : f32 to vector<1x1024xf32>
    %add3A_311 = arith.addf %add3A_310, %dot_general3A_298 : vector<1x1024xf32>
    %jit3A_312 = arith.constant 1.000000e+09 : f32
    %broadcast_in_dim3A_313 = vector.broadcast %jit3A_312 : f32 to vector<1x1024xf32>
    %select_n3A_314 = arith.select %gt3A_309, %add3A_311, %broadcast_in_dim3A_313 : vector<1x1024xi1>, vector<1x1024xf32>
    %select_n3A_315 = arith.select %gt3A_306, %dot_general3A_296, %select_n3A_314 : vector<1x1024xi1>, vector<1x1024xf32>
    %iota3A_316 = tpu.iota {dimensions = array<i32: 0>} : vector<128x1xi32>
    %convert_element_type3A_317 = arith.sitofp %iota3A_316 : vector<128x1xi32> to vector<128x1xf32>
    %eq3A_318 = vector.broadcast %convert_element_type3A_317 : vector<128x1xf32> to vector<128x1024xf32>
    %eq3A_319 = vector.broadcast %select_n3A_315 : vector<1x1024xf32> to vector<128x1024xf32>
    %eq3A_320 = arith.cmpf oeq, %eq3A_318, %eq3A_319 : vector<128x1024xf32>
    %convert_element_type3A_321 = arith.extui %eq3A_320 : vector<128x1024xi1> to vector<128x1024xi32>
    %convert_element_type3A_322 = arith.sitofp %convert_element_type3A_321 : vector<128x1024xi32> to vector<128x1024xf32>
    %dot_general3A_323 = arith.constant dense<0.000000e+00> : vector<128x8xf32>
    %dot_general3A_324 = tpu.matmul %convert_element_type3A_322, %dot_general3A_208, %dot_general3A_323 {dimension_numbers = #tpu.dot_dimension_numbers<[1], [0], [0], [1], [0, 0, 1, 1], [], []>, transpose_lhs_hint = false} : vector<128x1024xf32>, vector<1024x8xf32>, vector<128x8xf32> -> vector<128x8xf32>
    %swap3A_325 = arith.constant 0 : index
    %swap3A_326 = arith.constant 0 : index
    %swap3A_327 = vector.load %arg8[%swap3A_325, %swap3A_326] : memref<128x8xf32, #tpu.memory_space<vmem>>, vector<128x8xf32>
    tpu.vector_store %arg8[%swap3A_325, %swap3A_326], %dot_general3A_324 {strides = array<i32>} : memref<128x8xf32, #tpu.memory_space<vmem>>, vector<128x8xf32>,
    return
  }
}

module attributes {stable_mosaic.version = 14 : i64} {
  func.func @_fc1_body(%arg0: i32, %arg1: memref<1024x896xf32, #tpu.memory_space<vmem>>, %arg2: memref<896x1024xf32, #tpu.memory_space<vmem>>, %arg3: memref<1x1024xf32, #tpu.memory_space<vmem>>, %arg4: memref<1024x1024xf32, #tpu.memory_space<vmem>>) attributes {dimension_semantics = [#tpu.dimension_semantics<arbitrary>], iteration_bounds = array<i64: 14>, scalar_prefetch = 0 : i64, scratch_operands = 0 : i64, tpu.core_type = #tpu.core_type<tc>, window_params = [{transform_indices = @transform_0, window_bounds = array<i64: 1024, 896>}, {transform_indices = @transform_1, window_bounds = array<i64: 896, 1024>}, {pipeline_mode = #tpu.pipeline_mode<synchronous>, transform_indices = @transform_2, window_bounds = array<i64: 1, 1024>}, {pipeline_mode = #tpu.pipeline_mode<synchronous>, transform_indices = @transform_3, window_bounds = array<i64: 1024, 1024>}]} {
    %get3A = arith.constant 0 : index
    %get3A_0 = arith.constant 0 : index
    %get3A_1 = vector.load %arg1[%get3A, %get3A_0] : memref<1024x896xf32, #tpu.memory_space<vmem>>, vector<1024x896xf32>
    %get3A_2 = arith.constant 0 : index
    %get3A_3 = arith.constant 0 : index
    %get3A_4 = vector.load %arg2[%get3A_2, %get3A_3] : memref<896x1024xf32, #tpu.memory_space<vmem>>, vector<896x1024xf32>
    %dot_general3A = arith.constant dense<0.000000e+00> : vector<1024x1024xf32>
    %dot_general3A_5 = tpu.matmul %get3A_1, %get3A_4, %dot_general3A {dimension_numbers = #tpu.dot_dimension_numbers<[1], [0], [0], [1], [0, 0, 1, 1], [], []>, transpose_lhs_hint = false} : vector<1024x896xf32>, vector<896x1024xf32>, vector<1024x1024xf32> -> vector<1024x1024xf32>
    %eq3A = arith.constant 0 : i32
    %eq3A_6 = arith.cmpi eq, %arg0, %eq3A : i32
    %convert_element_type3A = arith.extui %eq3A_6 : i1 to i32
    %cond3A = arith.constant 0 : i32
    %cond3A_7 = arith.cmpi ne, %convert_element_type3A, %cond3A : i32
    scf.if %cond3A_7 {
      %swap3A = arith.constant 0 : index
      %swap3A_17 = arith.constant 0 : index
      %swap3A_18 = vector.load %arg4[%swap3A, %swap3A_17] : memref<1024x1024xf32, #tpu.memory_space<vmem>>, vector<1024x1024xf32>
      tpu.vector_store %arg4[%swap3A, %swap3A_17], %dot_general3A_5 {strides = array<i32>} : memref<1024x1024xf32, #tpu.memory_space<vmem>>, vector<1024x1024xf32>,
    } else {
    }
    %gt3A = arith.constant 0 : i32
    %gt3A_8 = arith.cmpi sgt, %arg0, %gt3A : i32
    %convert_element_type3A_9 = arith.extui %gt3A_8 : i1 to i32
    %cond3A_10 = arith.constant 0 : i32
    %cond3A_11 = arith.cmpi ne, %convert_element_type3A_9, %cond3A_10 : i32
    scf.if %cond3A_11 {
      %get3A_17 = arith.constant 0 : index
      %get3A_18 = arith.constant 0 : index
      %get3A_19 = vector.load %arg4[%get3A_17, %get3A_18] : memref<1024x1024xf32, #tpu.memory_space<vmem>>, vector<1024x1024xf32>
      %add3A = arith.addf %get3A_19, %dot_general3A_5 : vector<1024x1024xf32>
      %swap3A = arith.constant 0 : index
      %swap3A_20 = arith.constant 0 : index
      %swap3A_21 = vector.load %arg4[%swap3A, %swap3A_20] : memref<1024x1024xf32, #tpu.memory_space<vmem>>, vector<1024x1024xf32>
      tpu.vector_store %arg4[%swap3A, %swap3A_20], %add3A {strides = array<i32>} : memref<1024x1024xf32, #tpu.memory_space<vmem>>, vector<1024x1024xf32>,
    } else {
    }
    %eq3A_12 = arith.constant 13 : i32
    %eq3A_13 = arith.cmpi eq, %arg0, %eq3A_12 : i32
    %convert_element_type3A_14 = arith.extui %eq3A_13 : i1 to i32
    %cond3A_15 = arith.constant 0 : i32
    %cond3A_16 = arith.cmpi ne, %convert_element_type3A_14, %cond3A_15 : i32
    scf.if %cond3A_16 {
      %get3A_17 = arith.constant 0 : index
      %get3A_18 = arith.constant 0 : index
      %get3A_19 = vector.load %arg4[%get3A_17, %get3A_18] : memref<1024x1024xf32, #tpu.memory_space<vmem>>, vector<1024x1024xf32>
      %get3A_20 = arith.constant 0 : index
      %get3A_21 = arith.constant 0 : index
      %get3A_22 = vector.load %arg3[%get3A_20, %get3A_21] : memref<1x1024xf32, #tpu.memory_space<vmem>>, vector<1x1024xf32>
      %add3A = vector.broadcast %get3A_22 : vector<1x1024xf32> to vector<1024x1024xf32>
      %add3A_23 = arith.addf %get3A_19, %add3A : vector<1024x1024xf32>
      %max3A = arith.constant 0.000000e+00 : f32
      %max3A_24 = vector.broadcast %max3A : f32 to vector<1024x1024xf32>
      %max3A_25 = arith.maximumf %add3A_23, %max3A_24 : vector<1024x1024xf32>
      %swap3A = arith.constant 0 : index
      %swap3A_26 = arith.constant 0 : index
      %swap3A_27 = vector.load %arg4[%swap3A, %swap3A_26] : memref<1024x1024xf32, #tpu.memory_space<vmem>>, vector<1024x1024xf32>
      tpu.vector_store %arg4[%swap3A, %swap3A_26], %max3A_25 {strides = array<i32>} : memref<1024x1024xf32, #tpu.memory_space<vmem>>, vector<1024x1024xf32>,
    } else {
    }
    return
  }
  func.func @transform_0(%arg0: i32) -> (i32, i32) {
    %c0_i32 = arith.constant 0 : i32
    %c0_i32_0 = arith.constant 0 : i32
    return %c0_i32, %arg0 : i32, i32
  }
  func.func @transform_1(%arg0: i32) -> (i32, i32) {
    %c0_i32 = arith.constant 0 : i32
    %c0_i32_0 = arith.constant 0 : i32
    return %arg0, %c0_i32 : i32, i32
  }
  func.func @transform_2(%arg0: i32) -> (i32, i32) {
    %c0_i32 = arith.constant 0 : i32
    %c0_i32_0 = arith.constant 0 : i32
    %c0_i32_1 = arith.constant 0 : i32
    return %c0_i32, %c0_i32_0 : i32, i32
  }
  func.func @transform_3(%arg0: i32) -> (i32, i32) {
    %c0_i32 = arith.constant 0 : i32
    %c0_i32_0 = arith.constant 0 : i32
    %c0_i32_1 = arith.constant 0 : i32
    return %c0_i32, %c0_i32_0 : i32, i32
  }
}

</mosaic_0001>

<sc_bundles>
// kernel: kernel.6.cloned.1.call-start
scs
__scs_entry_jumppad:
0x0: {  	(pc) =	sbr.rel $0x88, $3  }
0x1: {  	(tag) =	ssettag $0x0;
	lr =	simm.s32 $0x1  }
0x2: {  	[smem:$0x3F97] =	sst lr;
	_ =	strace $0xD0000000  }
0x3: {  	_ = 	snop  }
0x4: {  	_ = 	snop  }
0x5: {  	_ = 	snop  }
0x6: {  	_ = 	snop  }
0x7: {  	_ = 	snop  }
__scs_overlays_trampoline_lowered:
0x8: {  	[smem:$0x3FA6] =	sst s0  }
0x9: {  	[smem:$0x3FA7] =	sst s1  }
0xa: {  	[smem:$0x3FA8] =	sst s2  }
0xb: {  	[smem:$0x3FA9] =	sst s3  }
0xc: {  	[smem:$0x3FAA] =	sst s4  }
0xd: {  	[smem:$0x3FAB] =	sst s5  }
0xe: {  	[smem:$0x3FAC] =	sst s6  }
0xf: {  	[smem:$0x3FAD] =	sst s7  }
0x10: {  	[smem:$0x3FAE] =	sst s8  }
0x11: {  	[smem:$0x3FAF] =	sst s9;
	s0 =	simm.s32 @!p0 $0x0  }
0x12: {  	s1 =	sld [smem:$0x3F95];
	s0 =	simm.s32 @p0 $0x1  }
0x13: {  	[smem:$0x3FB0] =	sst s0;
	s0 =	simm.s32 @!p1 $0x0  }
0x14: {  	s2 =	sld [smem:$0x3F94];
	s0 =	simm.s32 @p1 $0x1  }
0x15: {  	[smem:$0x3FB1] =	sst s0;
	s0 =	simm.s32 @!p2 $0x0  }
0x16: {  	s3 =	sld [smem:$0x3FDB];
	s0 =	simm.s32 @p2 $0x1  }
0x17: {  	s4 =	simm.s32 $0x1BF5;
	[smem:$0x3FB3] =	sst s0  }
0x18: {  	s0 =	sld [smem:$0x3F96];
	_ =	swait.ge [sflag:s4], $0x0  }
0x19: {  	s7 =	sld [smem:$0x3F97]  }
0x1a: {  	s8 =	sadd.s32 $0xFFFFE003, lr  }
0x1b: {  	s9 =	sadd.s32 $0xFFFFFEF7, lr;
	s5 =	simm.s32 $0xFFFFFFFF;
	p2 =	slt.u32 s8, $0xFFFFF086  }
0x1c: {  	p1 =	slt.u32 s9, $0xF7A;
	s5 =	simm.s32 @!p2 $0x0  }
0x1d: {  	s5 =	simm.s32 @p1 $0x1;
	p0 =	seq.s32 s7, s2  }
0x1e: {  	s7 =	smul.u32 @!p0 $0xF7A, s2;
	p2 =	seq.s32 @!p0 s5, $0x0  }
0x1f: {  	s9 =	smul.u32 $0xF7A, s1;
	s8 =	simm.s32 @!p0 $0x1BF5;
	p2 =	por !p2, p0  }
0x20: {  	[sflag:s8] =	ssyncset.s32 @!p0 $0xFFFFF086;
	s6 =	sadd.s32 @!p0 s3, s7;
	s7 =	simm.s32 @!p0 $0x108  }
0x21: {  	s3 =	sadd.s32 s3, s9;
	s6 =	sadd.s32 @!p0 $0x88, s6;
	s7 =	simm.s32 @p2 $0x1082  }
0x22: {  	[simem:s7], [sflag:s8] =	dma.local @!p0 [hbm:s6], $0xF7A  }
0x23: {  	s9 =	sor.u32 $0xD0000000, s2;
	s6 =	simm.s32 $0x108;
	_ =	swait.ge @!p0 [sflag:s8], $0x0  }
0x24: {  	s3 =	sadd.s32 $0x88, s3;
	s6 =	simm.s32 @!p1 $0x1082;
	[sflag:s4] =	ssyncset.s32 $0xFFFFF086  }
0x25: {  	[simem:s6], [sflag:s4] =	dma.local [hbm:s3], $0xF7A  }
0x26: {  	[smem:$0x3F97] =	sst s1;
	(tag) =	ssettag s2;
	_ =	strace s9  }
0x27: {  	s1 =	sld [smem:$0x3FA7]  }
0x28: {  	s2 =	sld [smem:$0x3FA8]  }
0x29: {  	s4 =	sld [smem:$0x3FAA]  }
0x2a: {  	p0 =	seq.s32 s5, $0x0;
	s5 =	sld [smem:$0x3FAB]  }
0x2b: {  	s6 =	sld [smem:$0x3FAC]  }
0x2c: {  	s7 =	sld [smem:$0x3FAD]  }
0x2d: {  	s3 =	simm.s32 $0x108;
	s8 =	sld [smem:$0x3FAE]  }
0x2e: {  	s3 =	simm.s32 @!p0 $0x1082;
	s9 =	sld [smem:$0x3FAF]  }
0x2f: {  	lr =	sadd.s32 s0, s3;
	s0 =	sld [smem:$0x3FA6]  }
0x30: {  	s3 =	sld [smem:$0x3FA9]  }
0x31: {  	[smem:$0x3FB2] =	sst s10  }
0x32: {  	s10 =	sld [smem:$0x3FB0];
	_ =	sdelay $0x3  }
0x33: {  	p0 =	seq.s32 s10, $0x1;
	s10 =	sld [smem:$0x3FB2];
	_ =	sdelay $0x3  }
0x34: {  	[smem:$0x3FB2] =	sst s10  }
0x35: {  	s10 =	sld [smem:$0x3FB1];
	_ =	sdelay $0x3  }
0x36: {  	p1 =	seq.s32 s10, $0x1;
	s10 =	sld [smem:$0x3FB2];
	_ =	sdelay $0x3  }
0x37: {  	[smem:$0x3FB2] =	sst s10  }
0x38: {  	s10 =	sld [smem:$0x3FB3]  }
0x39: {  	_ = 	snop;
	(pc) =	sbr.ind lr, $3  }
0x3a: {  	_ = 	snop  }
0x3b: {  	_ = 	snop  }
0x3c: {  	p2 =	seq.s32 s10, $0x1;
	s10 =	sld [smem:$0x3FB2]  }
0x3d: {  	_ =	shalt  }
0x3e: {  	_ =	shalt  }
0x3f: {  	_ =	shalt  }
0x40: {  	_ =	shalt  }
0x41: {  	_ =	shalt  }
0x42: {  	_ =	shalt  }
0x43: {  	_ =	shalt  }
0x44: {  	_ =	shalt  }
0x45: {  	_ =	shalt  }
0x46: {  	_ =	shalt  }
0x47: {  	_ =	shalt  }
0x48: {  	_ =	shalt  }
0x49: {  	_ =	shalt  }
0x4a: {  	_ =	shalt  }
0x4b: {  	_ =	shalt  }
0x4c: {  	_ =	shalt  }
0x4d: {  	_ =	shalt  }
0x4e: {  	_ =	shalt  }
0x4f: {  	_ =	shalt  }
0x50: {  	_ =	shalt  }
0x51: {  	_ =	shalt  }
0x52: {  	_ =	shalt  }
0x53: {  	_ =	shalt  }
0x54: {  	_ =	shalt  }
0x55: {  	_ =	shalt  }
0x56: {  	_ =	shalt  }
0x57: {  	_ =	shalt  }
0x58: {  	_ =	shalt  }
0x59: {  	_ =	shalt  }
0x5a: {  	_ =	shalt  }
0x5b: {  	_ =	shalt  }
0x5c: {  	_ =	shalt  }
0x5d: {  	_ =	shalt  }
0x5e: {  	_ =	shalt  }
0x5f: {  	_ =	shalt  }
0x60: {  	_ =	shalt  }
0x61: {  	_ =	shalt  }
0x62: {  	_ =	shalt  }
0x63: {  	_ =	shalt  }
0x64: {  	_ =	shalt  }
0x65: {  	_ =	shalt  }
0x66: {  	_ =	shalt  }
0x67: {  	_ =	shalt  }
0x68: {  	_ =	shalt  }
0x69: {  	_ =	shalt  }
0x6a: {  	_ =	shalt  }
0x6b: {  	_ =	shalt  }
0x6c: {  	_ =	shalt  }
0x6d: {  	_ =	shalt  }
0x6e: {  	_ =	shalt  }
0x6f: {  	_ =	shalt  }
0x70: {  	_ =	shalt  }
0x71: {  	_ =	shalt  }
0x72: {  	_ =	shalt  }
0x73: {  	_ =	shalt  }
0x74: {  	_ =	shalt  }
0x75: {  	_ =	shalt  }
0x76: {  	_ =	shalt  }
0x77: {  	_ =	shalt  }
0x78: {  	_ =	shalt  }
0x79: {  	_ =	shalt  }
0x7a: {  	_ =	shalt  }
0x7b: {  	_ =	shalt  }
0x7c: {  	_ =	shalt  }
0x7d: {  	_ =	shalt  }
0x7e: {  	_ =	shalt  }
0x7f: {  	_ =	shalt  }
0x80: {  	_ =	shalt  }
0x81: {  	_ =	shalt  }
0x82: {  	_ =	shalt  }
0x83: {  	_ =	shalt  }
0x84: {  	_ =	shalt  }
0x85: {  	_ =	shalt  }
0x86: {  	_ =	shalt  }
0x87: {  	_ =	shalt  }
.Lfunc_end0:
.L_simem_size_0:
called_computation_lowered:
.L_overlay_start_0:
0x88: {  	s2 =	sld [smem:$0x3FD9]  }
0x89: {  	s3 =	sld [smem:$0x3FFE];
	_ =	sdelay $0x1  }
0x8a: {  	s1 =	srdreg.scid  }
0x8b: {  	s0 =	sand.u32 $0x1, s1  }
0x8c: {  	s17 =	sshll.u32 s0, $0xA;
	s2 =	sadd.s32 s3, s2  }
0x8d: {  	s2 =	sadd.s32 s2, s17  }
0x8e: {  	[smem:$0x3FBE] =	sst s2  }
0x8f: {  	_ = 	snop  }
0x90: {  	s2 =	sld [smem:$0x3FC9];
	(tm) =	ssettm $0x1  }
0x91: {  	s18 =	sld [smem:$0x3FFB];
	_ =	sdelay $0x3  }
0x92: {  	_ =	strace s18  }
0x93: {  	s3 =	sld [smem:$0x3FFC];
	_ =	sdelay $0x3  }
0x94: {  	_ =	strace s3  }
0x95: {  	s3 =	sld [smem:$0x3FFD];
	_ =	sdelay $0x3  }
0x96: {  	_ =	strace s3  }
0x97: {  	_ =	strace $0x8FFFFFFF  }
0x98: {  	s19 =	sld [smem:$0x3FDB];
	_ =	sdelay $0x1  }
0x99: {  	s4 =	simm.s32 $_scs_section_size  }
0x9a: {  	s5 =	simm.s32 $_size__tile_overlayer_lowered;
	s6 =	simm.s32 $_tile_overlayer_lowered  }
0x9b: {  	s22 =	simm.s32 $0x1BFF;
	s21 =	sshll.u32 s6, $0x1;
	s3 =	sadd.s32 s4, s19  }
0x9c: {  	s7 =	simm.s32 $0x0;
	s20 =	sshll.u32 s5, $0x1;
	s5 =	sadd.s32 s21, s3  }
0x9d: {  	[timem:s7], [sflag:s22] =	dma.local [hbm:s5], s20  }
0x9e: {  	_ =	swait.ge [sflag:s22], s20  }
0x9f: {  	s4 =	ssub.s32 $0x0, s20;
	[sflag:s22] =	ssyncset.done $0x0  }
0xa0: {  	[sflag:s22] =	ssyncadd.s32 s4;
	_ =	sdelay $0x1  }
0xa1: {  	s23 =	simm.s32 $0x1B8B  }
0xa2: {  	_ =	swait.ge [sflag:s23], $0x1  }
0xa3: {  	[sflag:s23] =	ssyncset.done $0x0  }
0xa4: {  	s25 =	simm.s32 $0x1B8E;
	s24 =	sld [smem:$0x3FFE];
	[sflag:s23] =	ssyncadd.s32 $0xFFFFFFFF  }
0xa5: {  	s26 =	simm.s32 $execute0_lowered;
	[smem:$0x3FD2] =	sst s25  }
0xa6: {  	s5 =	sshll.u32 s26, $0x1;
	_ =	strace $0x80000046;
	[dreg:$0x1] =	wrdreg $0xFFFFFFFF  }
0xa7: {  	s28 =	simm.s32 $_size_execute0_lowered;
	s3 =	sadd.s32 s3, s5;
	[dreg:$0x0] =	wrdreg $0x0  }
0xa8: {  	s5 =	sshll.u32 s28, $0x1;
	[dreg:$0x2] =	wrdreg s3  }
0xa9: {  	[dreg:$0x3] =	wrdreg s5  }
0xaa: {  	[dreg:$0x4] =	wrdreg $0xC0  }
0xab: {  	_ =	task [dreg:s7], $0x5FFFF  }
0xac: {  	[dreg:$0x1] =	wrdreg $0xFFFFFFFF  }
0xad: {  	[dreg:$0x0] =	wrdreg $0x60  }
0xae: {  	[dreg:$0x2] =	wrdreg s2  }
0xaf: {  	[dreg:$0x3] =	wrdreg s24  }
0xb0: {  	[dreg:$0x4] =	wrdreg $0x9  }
0xb1: {  	_ =	task.clear_ibuf [dreg:s7], $0x5FFFF;
	_ =	strace $0x90000046  }
0xb2: {  	s29 =	simm.s32 $0x9;
	_ =	strace $0x80000048  }
0xb3: {  	_ =	swait.ge [sflag:s29], $0x1  }
0xb4: {  	[sflag:s29] =	ssyncadd.s32 $0xFFFFFFFF  }
0xb5: {  	_ =	strace $0x90000048  }
0xb6: {  	_ =	sfence  }
0xb7: {  	s30 =	sld [smem:$0x0];
	_ =	sdelay $0x2  }
0xb8: {  	s31 =	sshll.u32 s1, $0xD;
	s1 =	sshrl.u32 s1, $0x2  }
0xb9: {  	s3 =	sand.u32 $0x4000, s31;
	s1 =	sadd.s32 s1, s30  }
0xba: {  	s0 =	sor.u32 s3, s0;
	s1 =	sshll.u32 s1, $0x11  }
0xbb: {  	s0 =	sor.u32 s1, s0  }
0xbc: {  	s0 =	sadd.s32 $0x8F2B, s0  }
0xbd: {  	[sflag:s0] =	ssyncadd.remote.s32 $0x1  }
0xbe: {  	_ =	sfence.sel $0xFFFF  }
0xbf: {  	[dreg:$0x0] =	wrdreg $0xFFFFFFFF;
	(pc) =	sbr.abs _section_cstart, $3  }
0xc0: {  	[dreg:$0x1] =	wrdreg $0xFFFFFFFF  }
0xc1: {  	_ =	task.clear_ibuf [dreg:s7], $0x2FFFF;
	_ =	strace $0x9FFFFFFF  }
0xc2: {  	(tm) =	ssettm $0x7FFFFFFF  }
0xc3: {  	_ =	shalt  }
tec
execute0_lowered:
.L_overlay_start_1:
0x0: {  	(tag) =	ssettag $0x1  }
0x1: {  	s1 =	rddreg [dreg:$0x0]  }
0x2: {  	s0 =	rddreg [dreg:$0x1];
	s13 =	simm.s32 $0x0;
	s2 =	srdreg.scid  }
0x3: {  	s7 =	stileid.u32;
	s10 =	simm.s32 $0x80;
	s11 =	simm.s32 $0x400  }
0x4: {  	s12 =	simm.s32 $0x2;
	s16 =	simm.s32 $0xB900;
	s17 =	simm.s32 $0xC100  }
0x5: {  	s18 =	simm.s32 $0x1;
	s19 =	simm.s32 $0xE200;
	s2 =	sand.u32 $0x1, s2  }
0x6: {  	s23 =	simm.s32 $0x0;
	[smem:$0x7FF] =	sst s13;
	s3 =	ssub.s32 $0x2, s2  }
0x7: {  	s4 =	sadd.s32 $0x1A00, s0;
	s5 =	sadd.s32 $0xDA00, s0;
	s8 =	sshrl.u32 s3, $0x1  }
0x8: {  	v2 =	vlaneseq.u32;
	s6 =	sadd.s32 $0x71A00, s0;
	s9 =	sshll.u32 s7, $0x6;
	s31 =	ssub.s32 s3, s8  }
0x9: {  	vm0 =	vmmov $0xffff;
	s7 =	sadd.s32 $0xD5A00, s0;
	v1 =	vshrl.u32 v2, $0x3;
	s2 =	sshll.u32 s2, $0x5;
	s0 =	smax.u32 s31, $0x1  }
0xa: {  	v0 =	vand.u32 $0x7, v2;
	v2 =	vor.u32 $0x8, v2;
	_ =	strace $0x80000047;
	v1 =	vmul.u32 $0x8, v1;
	s8 =	sor.u32 s2, s9;
	[dreg:$0x4] =	wrdreg s0  }
.LBB2_1:
0xb: {  	[dreg:$0x3] =	wrdreg s13;
	s20 =	simm.s32 $0x0  }
.LBB2_2:
0xc: {  	s0 =	sadd.s32 s8, s20  }
0xd: {  	s28 =	sshll.u32 s20, $0x7;
	s21 =	sshrl.u32 s0, $0x3  }
0xe: {  	s22 =	sand.u32 $0x380, s28;
	s29 =	sshll.u32 s21, $0xB  }
0xf: {  	s0 =	sor.u32 s22, s29  }
0x10: {  	s0 =	sshrl.u32 s0, $0x3  }
0x11: {  	s2 =	smul.u32 $0x6400, s21;
	s0 =	sadd.s32 s4, s0  }
0x12: {  	[tilespmem:s23], [sflag:$0x2] =	stream.strided.gather [hbm4b:s0+s10], $0x100, s11, s10, $0x38;
	[tilespmem:$0x11300] =	vst v63  }
0x13: {  	s30 =	sor.u32 s22, s2;
	_ =	swait.ge [sflag:s12], $0x100  }
0x14: {  	s0 =	sshrl.u32 s30, $0x3;
	[sflag:s12] =	ssyncset.done $0x0  }
0x15: {  	s3 =	simm.s32 $0xC900;
	s31 =	sadd.s32 s5, s0;
	[sflag:s12] =	ssyncadd.s32 $0xFFFFFF00  }
0x16: {  	[tilespmem:s3], [sflag:$0x2] =	stream.strided.gather [hbm4b:s31+s10], $0xC80, s11, s10, $0x38;
	[tilespmem:$0x11300] =	vst v63  }
0x17: {  	_ =	swait.ge [sflag:s12], $0xC80  }
0x18: {  	[sflag:s12] =	ssyncset.done $0x0  }
0x19: {  	s9 =	simm.s32 $0xD580;
	s0 =	sadd.s32 s6, s0;
	[sflag:s12] =	ssyncadd.s32 $0xFFFFF380  }
0x1a: {  	[tilespmem:s9], [sflag:$0x2] =	stream.strided.gather [hbm4b:s0+s10], $0xC80, s11, s10, $0x38;
	[tilespmem:$0x11300] =	vst v63  }
0x1b: {  	_ =	swait.ge [sflag:s12], $0xC80  }
0x1c: {  	[sflag:s12] =	ssyncset.done $0x0  }
0x1d: {  	[sflag:s12] =	ssyncadd.s32 $0xFFFFF380  }
0x1e: {  	v3 =	vld [tilespmem:$0x0];
	_ =	sdelay $0x4  }
0x1f: {  	v4 =	vshll.u32 v3, $0x1  }
0x20: {  	v3 =	vand.u32 $0x7, v3;
	v4 =	vand.u32 $0xFFFFFFF0, v4  }
0x21: {  	v3 =	vor.u32 v3, v4  }
0x22: {  	v4 =	vperm.xlane v3, v0;
	_ =	sdelay $0x1  }
0x23: {  	v3 =	vperm.xlane v3, v2;
	v4 =	vadd.s32 v1, v4;
	_ =	sdelay $0x1  }
0x24: {  	v3 =	vadd.s32 v1, v3;
	_ =	sdelay $0x1  }
0x25: {  	s13 =	simm.s32 $0x100  }
0x26: {  	[tilespmem:s13], [sflag:$0x1] =	stream.indirect_vreg.gather [hbm4b:s1+s23], $0x80, v4, vm0, $0xb8;
	[tilespmem:$0x11300] =	vst v63  }
0x27: {  	s14 =	simm.s32 $0x900  }
0x28: {  	[tilespmem:s14], [sflag:$0x1] =	stream.indirect_vreg.gather [hbm4b:s1+s23], $0x80, v3, vm0, $0xb8;
	[tilespmem:$0x11300] =	vst v63  }
0x29: {  	v3 =	vld [tilespmem:$0x10];
	_ =	sdelay $0x4  }
0x2a: {  	v52 =	vshll.u32 v3, $0x1  }
0x2b: {  	v3 =	vand.u32 $0x7, v3;
	v4 =	vand.u32 $0xFFFFFFF0, v52  }
0x2c: {  	v3 =	vor.u32 v3, v4  }
0x2d: {  	v4 =	vperm.xlane v3, v0;
	_ =	sdelay $0x1  }
0x2e: {  	v3 =	vperm.xlane v3, v2;
	v4 =	vadd.s32 v1, v4;
	_ =	sdelay $0x1  }
0x2f: {  	v3 =	vadd.s32 v1, v3;
	_ =	sdelay $0x1  }
0x30: {  	s15 =	simm.s32 $0x1100  }
0x31: {  	[tilespmem:s15], [sflag:$0x1] =	stream.indirect_vreg.gather [hbm4b:s1+s23], $0x80, v4, vm0, $0xb8;
	[tilespmem:$0x11300] =	vst v63  }
0x32: {  	s24 =	simm.s32 $0x1900  }
0x33: {  	[tilespmem:s24], [sflag:$0x1] =	stream.indirect_vreg.gather [hbm4b:s1+s23], $0x80, v3, vm0, $0xb8;
	[tilespmem:$0x11300] =	vst v63  }
0x34: {  	v3 =	vld [tilespmem:$0x20];
	_ =	sdelay $0x4  }
0x35: {  	v53 =	vshll.u32 v3, $0x1  }
0x36: {  	v3 =	vand.u32 $0x7, v3;
	v4 =	vand.u32 $0xFFFFFFF0, v53  }
0x37: {  	v3 =	vor.u32 v3, v4  }
0x38: {  	v4 =	vperm.xlane v3, v0;
	_ =	sdelay $0x1  }
0x39: {  	v3 =	vperm.xlane v3, v2;
	v4 =	vadd.s32 v1, v4;
	_ =	sdelay $0x1  }
0x3a: {  	v3 =	vadd.s32 v1, v3;
	_ =	sdelay $0x1  }
0x3b: {  	s25 =	simm.s32 $0x2100  }
0x3c: {  	[tilespmem:s25], [sflag:$0x1] =	stream.indirect_vreg.gather [hbm4b:s1+s23], $0x80, v4, vm0, $0xb8;
	[tilespmem:$0x11300] =	vst v63  }
0x3d: {  	s26 =	simm.s32 $0x2900  }
0x3e: {  	[tilespmem:s26], [sflag:$0x1] =	stream.indirect_vreg.gather [hbm4b:s1+s23], $0x80, v3, vm0, $0xb8;
	[tilespmem:$0x11300] =	vst v63  }
0x3f: {  	v3 =	vld [tilespmem:$0x30];
	_ =	sdelay $0x4  }
0x40: {  	v54 =	vshll.u32 v3, $0x1  }
0x41: {  	v3 =	vand.u32 $0x7, v3;
	v4 =	vand.u32 $0xFFFFFFF0, v54  }
0x42: {  	v3 =	vor.u32 v3, v4  }
0x43: {  	v4 =	vperm.xlane v3, v0;
	_ =	sdelay $0x1  }
0x44: {  	v3 =	vperm.xlane v3, v2;
	v4 =	vadd.s32 v1, v4;
	_ =	sdelay $0x1  }
0x45: {  	v3 =	vadd.s32 v1, v3;
	_ =	sdelay $0x1  }
0x46: {  	s28 =	simm.s32 $0x3100  }
0x47: {  	[tilespmem:s28], [sflag:$0x1] =	stream.indirect_vreg.gather [hbm4b:s1+s23], $0x80, v4, vm0, $0xb8;
	[tilespmem:$0x11300] =	vst v63  }
0x48: {  	s29 =	simm.s32 $0x3900  }
0x49: {  	[tilespmem:s29], [sflag:$0x1] =	stream.indirect_vreg.gather [hbm4b:s1+s23], $0x80, v3, vm0, $0xb8;
	[tilespmem:$0x11300] =	vst v63  }
0x4a: {  	v3 =	vld [tilespmem:$0x40];
	_ =	sdelay $0x4  }
0x4b: {  	v55 =	vshll.u32 v3, $0x1  }
0x4c: {  	v3 =	vand.u32 $0x7, v3;
	v4 =	vand.u32 $0xFFFFFFF0, v55  }
0x4d: {  	v3 =	vor.u32 v3, v4  }
0x4e: {  	v4 =	vperm.xlane v3, v0;
	_ =	sdelay $0x1  }
0x4f: {  	v3 =	vperm.xlane v3, v2;
	v4 =	vadd.s32 v1, v4;
	_ =	sdelay $0x1  }
0x50: {  	v3 =	vadd.s32 v1, v3;
	_ =	sdelay $0x1  }
0x51: {  	s30 =	simm.s32 $0x4100  }
0x52: {  	[tilespmem:s30], [sflag:$0x1] =	stream.indirect_vreg.gather [hbm4b:s1+s23], $0x80, v4, vm0, $0xb8;
	[tilespmem:$0x11300] =	vst v63  }
0x53: {  	s31 =	simm.s32 $0x4900  }
0x54: {  	[tilespmem:s31], [sflag:$0x1] =	stream.indirect_vreg.gather [hbm4b:s1+s23], $0x80, v3, vm0, $0xb8;
	[tilespmem:$0x11300] =	vst v63  }
0x55: {  	v3 =	vld [tilespmem:$0x50];
	_ =	sdelay $0x4  }
0x56: {  	v56 =	vshll.u32 v3, $0x1  }
0x57: {  	v3 =	vand.u32 $0x7, v3;
	v4 =	vand.u32 $0xFFFFFFF0, v56  }
0x58: {  	v3 =	vor.u32 v3, v4  }
0x59: {  	v4 =	vperm.xlane v3, v0;
	_ =	sdelay $0x1  }
0x5a: {  	v3 =	vperm.xlane v3, v2;
	v4 =	vadd.s32 v1, v4;
	_ =	sdelay $0x1  }
0x5b: {  	v3 =	vadd.s32 v1, v3;
	_ =	sdelay $0x1  }
0x5c: {  	s2 =	simm.s32 $0x5100  }
0x5d: {  	[tilespmem:s2], [sflag:$0x1] =	stream.indirect_vreg.gather [hbm4b:s1+s23], $0x80, v4, vm0, $0xb8;
	[tilespmem:$0x11300] =	vst v63  }
0x5e: {  	s3 =	simm.s32 $0x5900  }
0x5f: {  	[tilespmem:s3], [sflag:$0x1] =	stream.indirect_vreg.gather [hbm4b:s1+s23], $0x80, v3, vm0, $0xb8;
	[tilespmem:$0x11300] =	vst v63  }
0x60: {  	v3 =	vld [tilespmem:$0x60];
	_ =	sdelay $0x4  }
0x61: {  	v57 =	vshll.u32 v3, $0x1  }
0x62: {  	v3 =	vand.u32 $0x7, v3;
	v4 =	vand.u32 $0xFFFFFFF0, v57  }
0x63: {  	v3 =	vor.u32 v3, v4  }
0x64: {  	v4 =	vperm.xlane v3, v0;
	_ =	sdelay $0x1  }
0x65: {  	v3 =	vperm.xlane v3, v2;
	v4 =	vadd.s32 v1, v4;
	_ =	sdelay $0x1  }
0x66: {  	v3 =	vadd.s32 v1, v3;
	_ =	sdelay $0x1  }
0x67: {  	s9 =	simm.s32 $0x6100  }
0x68: {  	[tilespmem:s9], [sflag:$0x1] =	stream.indirect_vreg.gather [hbm4b:s1+s23], $0x80, v4, vm0, $0xb8;
	[tilespmem:$0x11300] =	vst v63  }
0x69: {  	s13 =	simm.s32 $0x6900  }
0x6a: {  	[tilespmem:s13], [sflag:$0x1] =	stream.indirect_vreg.gather [hbm4b:s1+s23], $0x80, v3, vm0, $0xb8;
	[tilespmem:$0x11300] =	vst v63  }
0x6b: {  	v3 =	vld [tilespmem:$0x70];
	_ =	sdelay $0x4  }
0x6c: {  	v58 =	vshll.u32 v3, $0x1  }
0x6d: {  	v3 =	vand.u32 $0x7, v3;
	v4 =	vand.u32 $0xFFFFFFF0, v58  }
0x6e: {  	v3 =	vor.u32 v3, v4  }
0x6f: {  	v4 =	vperm.xlane v3, v0;
	_ =	sdelay $0x1  }
0x70: {  	v3 =	vperm.xlane v3, v2;
	v4 =	vadd.s32 v1, v4;
	_ =	sdelay $0x1  }
0x71: {  	v3 =	vadd.s32 v1, v3;
	_ =	sdelay $0x1  }
0x72: {  	s14 =	simm.s32 $0x7100  }
0x73: {  	[tilespmem:s14], [sflag:$0x1] =	stream.indirect_vreg.gather [hbm4b:s1+s23], $0x80, v4, vm0, $0xb8;
	[tilespmem:$0x11300] =	vst v63  }
0x74: {  	s15 =	simm.s32 $0x7900  }
0x75: {  	[tilespmem:s15], [sflag:$0x1] =	stream.indirect_vreg.gather [hbm4b:s1+s23], $0x80, v3, vm0, $0xb8;
	[tilespmem:$0x11300] =	vst v63  }
0x76: {  	v3 =	vld [tilespmem:$0x80];
	_ =	sdelay $0x4  }
0x77: {  	v59 =	vshll.u32 v3, $0x1  }
0x78: {  	v3 =	vand.u32 $0x7, v3;
	v4 =	vand.u32 $0xFFFFFFF0, v59  }
0x79: {  	v3 =	vor.u32 v3, v4  }
0x7a: {  	v4 =	vperm.xlane v3, v0;
	_ =	sdelay $0x1  }
0x7b: {  	v3 =	vperm.xlane v3, v2;
	v4 =	vadd.s32 v1, v4;
	_ =	sdelay $0x1  }
0x7c: {  	v3 =	vadd.s32 v1, v3;
	_ =	sdelay $0x1  }
0x7d: {  	s24 =	simm.s32 $0x8100  }
0x7e: {  	[tilespmem:s24], [sflag:$0x1] =	stream.indirect_vreg.gather [hbm4b:s1+s23], $0x80, v4, vm0, $0xb8;
	[tilespmem:$0x11300] =	vst v63  }
0x7f: {  	s25 =	simm.s32 $0x8900  }
0x80: {  	[tilespmem:s25], [sflag:$0x1] =	stream.indirect_vreg.gather [hbm4b:s1+s23], $0x80, v3, vm0, $0xb8;
	[tilespmem:$0x11300] =	vst v63  }
0x81: {  	v3 =	vld [tilespmem:$0x90];
	_ =	sdelay $0x4  }
0x82: {  	v60 =	vshll.u32 v3, $0x1  }
0x83: {  	v3 =	vand.u32 $0x7, v3;
	v4 =	vand.u32 $0xFFFFFFF0, v60  }
0x84: {  	v3 =	vor.u32 v3, v4  }
0x85: {  	v4 =	vperm.xlane v3, v0;
	_ =	sdelay $0x1  }
0x86: {  	v3 =	vperm.xlane v3, v2;
	v4 =	vadd.s32 v1, v4;
	_ =	sdelay $0x1  }
0x87: {  	v3 =	vadd.s32 v1, v3;
	_ =	sdelay $0x1  }
0x88: {  	s26 =	simm.s32 $0x9100  }
0x89: {  	[tilespmem:s26], [sflag:$0x1] =	stream.indirect_vreg.gather [hbm4b:s1+s23], $0x80, v4, vm0, $0xb8;
	[tilespmem:$0x11300] =	vst v63  }
0x8a: {  	s28 =	simm.s32 $0x9900  }
0x8b: {  	[tilespmem:s28], [sflag:$0x1] =	stream.indirect_vreg.gather [hbm4b:s1+s23], $0x80, v3, vm0, $0xb8;
	[tilespmem:$0x11300] =	vst v63  }
0x8c: {  	v3 =	vld [tilespmem:$0xA0];
	_ =	sdelay $0x4  }
0x8d: {  	v61 =	vshll.u32 v3, $0x1  }
0x8e: {  	v3 =	vand.u32 $0x7, v3;
	v4 =	vand.u32 $0xFFFFFFF0, v61  }
0x8f: {  	v3 =	vor.u32 v3, v4  }
0x90: {  	v4 =	vperm.xlane v3, v0;
	_ =	sdelay $0x1  }
0x91: {  	v3 =	vperm.xlane v3, v2;
	v4 =	vadd.s32 v1, v4;
	_ =	sdelay $0x1  }
0x92: {  	v3 =	vadd.s32 v1, v3;
	_ =	sdelay $0x1  }
0x93: {  	s29 =	simm.s32 $0xA100  }
0x94: {  	[tilespmem:s29], [sflag:$0x1] =	stream.indirect_vreg.gather [hbm4b:s1+s23], $0x80, v4, vm0, $0xb8;
	[tilespmem:$0x11300] =	vst v63  }
0x95: {  	s30 =	simm.s32 $0xA900  }
0x96: {  	[tilespmem:s30], [sflag:$0x1] =	stream.indirect_vreg.gather [hbm4b:s1+s23], $0x80, v3, vm0, $0xb8;
	[tilespmem:$0x11300] =	vst v63  }
0x97: {  	v3 =	vld [tilespmem:$0xB0];
	_ =	sdelay $0x4  }
0x98: {  	v62 =	vshll.u32 v3, $0x1  }
0x99: {  	v3 =	vand.u32 $0x7, v3;
	v4 =	vand.u32 $0xFFFFFFF0, v62  }
0x9a: {  	v3 =	vor.u32 v3, v4  }
0x9b: {  	v4 =	vperm.xlane v3, v0;
	_ =	sdelay $0x1  }
0x9c: {  	v3 =	vperm.xlane v3, v2;
	v4 =	vadd.s32 v1, v4;
	_ =	sdelay $0x1  }
0x9d: {  	v3 =	vadd.s32 v1, v3;
	_ =	sdelay $0x1  }
0x9e: {  	s31 =	simm.s32 $0xB100  }
0x9f: {  	[tilespmem:s31], [sflag:$0x1] =	stream.indirect_vreg.gather [hbm4b:s1+s23], $0x80, v4, vm0, $0xb8;
	[tilespmem:$0x11300] =	vst v63  }
0xa0: {  	_ = 	snop  }
0xa1: {  	[tilespmem:s16], [sflag:$0x1] =	stream.indirect_vreg.gather [hbm4b:s1+s23], $0x80, v3, vm0, $0xb8;
	[tilespmem:$0x11300] =	vst v63  }
0xa2: {  	v3 =	vld.msk [tilespmem:$0xC0], $0xff;
	_ =	sdelay $0x4  }
0xa3: {  	v63 =	vshll.u32 v3, $0x1  }
0xa4: {  	v3 =	vand.u32 $0x7, v3;
	v4 =	vand.u32 $0xFFFFFFF0, v63  }
0xa5: {  	v3 =	vor.u32 v3, v4  }
0xa6: {  	v3 =	vperm.xlane v3, v0;
	_ =	sdelay $0x1  }
0xa7: {  	v3 =	vadd.s32 v1, v3;
	_ =	sdelay $0x4  }
0xa8: {  	[tilespmem:s17], [sflag:$0x1] =	stream.indirect_vreg.gather [hbm4b:s1+s23], $0x80, v3, vm0, $0xb8;
	[tilespmem:$0x11300] =	vst v63  }
0xa9: {  	_ =	swait.ge [sflag:s18], $0x8000  }
0xaa: {  	[sflag:s18] =	ssyncset.done $0x0  }
0xab: {  	[sflag:s18] =	ssyncadd.s32 $0xFFFF8000  }
0xac: {  	_ =	swait.ge [sflag:s18], $0x4800  }
0xad: {  	[sflag:s18] =	ssyncset.done $0x0  }
0xae: {  	s24 =	simm.s32 $0x0;
	[sflag:s18] =	ssyncadd.s32 $0xFFFFB800  }
.LBB2_3:
0xaf: {  	s0 =	sshll.u32 s24, $0x4;
	s2 =	sadd.s32 $0x32, s24;
	s3 =	sadd.s32 $0x64, s24  }
0xb0: {  	s14 =	sadd.s32 $0x96, s24;
	s31 =	sshll.u32 s24, $0x8;
	s25 =	sshll.u32 s24, $0x7  }
0xb1: {  	s9 =	sshll.u32 s2, $0x4;
	s13 =	sshll.u32 s3, $0x4;
	s30 =	sshll.u32 s14, $0x4  }
0xb2: {  	s26 =	sand.u32 $0x3800, s31;
	s25 =	sand.u32 $0x380, s25;
	s28 =	sshll.u32 s2, $0x8  }
0xb3: {  	s2 =	sshll.u32 s2, $0x7;
	s25 =	sor.u32 s25, s26;
	s15 =	sand.u32 $0x7800, s28  }
0xb4: {  	s2 =	sand.u32 $0x380, s2;
	s28 =	sshll.u32 s3, $0x8;
	s3 =	sshll.u32 s3, $0x7  }
0xb5: {  	v3 =	vld [tilespmem:s0+$0xC900];
	s2 =	sor.u32 s2, s15;
	s29 =	sand.u32 $0xF800, s28;
	s3 =	sand.u32 $0x380, s3  }
0xb6: {  	v7 =	vld [tilespmem:s0+$0xD580];
	s28 =	sadd.s32 $0x100, s25;
	s15 =	sshll.u32 s14, $0x8;
	s3 =	sor.u32 s3, s29  }
0xb7: {  	v4 =	vld [tilespmem:s9+$0xC900];
	s26 =	sadd.s32 $0x100, s2;
	s25 =	sadd.s32 $0x100, s3;
	s3 =	sand.u32 $0x400, s23  }
0xb8: {  	v6 =	vld [tilespmem:s13+$0xC900];
	s2 =	sand.u32 $0xF800, s15;
	s15 =	sand.u32 $0x70, s23;
	s29 =	sadd.s32 s3, s28  }
0xb9: {  	s0 =	sshll.u32 s14, $0x7;
	v5 =	vld [tilespmem:s30+$0xC900];
	s14 =	sadd.s32 s15, s29;
	s29 =	sadd.s32 s3, s26  }
0xba: {  	s0 =	sand.u32 $0x380, s0;
	v10 =	vld [tilespmem:s14+$0x0];
	s14 =	sadd.s32 s15, s29;
	s29 =	sadd.s32 s3, s25  }
0xbb: {  	s0 =	sor.u32 s0, s2;
	v11 =	vld [tilespmem:s14+$0x0];
	s14 =	sadd.s32 s15, s29  }
0xbc: {  	s29 =	sadd.s32 $0x100, s0;
	v12 =	vld [tilespmem:s14+$0x0]  }
0xbd: {  	v8 =	vld [tilespmem:s9+$0xD580];
	s0 =	sadd.s32 s3, s29  }
0xbe: {  	v9 =	vld [tilespmem:s13+$0xD580];
	s0 =	sadd.s32 s15, s0  }
0xbf: {  	v13 =	vld [tilespmem:s0+$0x0]  }
0xc0: {  	v14 =	vmul.f32 v10, v3;
	v11 =	vmul.f32 v11, v4  }
0xc1: {  	v10 =	vld [tilespmem:s30+$0xD580];
	v12 =	vmul.f32 v12, v6  }
0xc2: {  	v14 =	vmul.f32 v14, v7;
	v11 =	vmul.f32 v11, v8;
	_ =	sdelay $0x1  }
0xc3: {  	v12 =	vmul.f32 v12, v9;
	v13 =	vmul.f32 v13, v5;
	v11 =	vadd.f32 v11, v14;
	_ =	sdelay $0x1  }
0xc4: {  	s13 =	sand.u32 $0x3FFFFF00, s31;
	s31 =	simm.s32 $0x10;
	v63 =	vmul.f32 v13, v10;
	v11 =	vadd.f32 v12, v11  }
0xc5: {  	s14 =	sand.u32 $0x80, s23;
	s0 =	simm.s32 $0x80;
	s30 =	sadd.s32 $0xE200, s13  }
0xc6: {  	s9 =	sand.u32 $0x70, s31;
	s2 =	sand.u32 $0x400, s0;
	s14 =	sadd.s32 s14, s30;
	v11 =	vadd.f32 v63, v11  }
0xc7: {  	s3 =	simm.s32 $0x20;
	s13 =	sadd.s32 s2, s28;
	s14 =	sadd.s32 s15, s14  }
.LBB2_4:
0xc8: {  	p0 =	sne.s32 s3, $0xF0;
	s13 =	sadd.s32 s9, s13;
	s15 =	sadd.s32 s2, s26;
	[tilespmem:s14+$0x0] =	vst v11  }
0xc9: {  	s14 =	sadd.s32 s2, s25;
	v11 =	vld [tilespmem:s13+$0x0];
	s13 =	sadd.s32 s9, s15;
	s15 =	smov.u32 s9  }
0xca: {  	v12 =	vld [tilespmem:s13+$0x0];
	s9 =	sadd.s32 s15, s14  }
0xcb: {  	v13 =	vld [tilespmem:s9+$0x0]  }
0xcc: {  	s2 =	sadd.s32 s2, s29  }
0xcd: {  	s2 =	sadd.s32 s15, s2  }
0xce: {  	v14 =	vld [tilespmem:s2+$0x0]  }
0xcf: {  	v11 =	vmul.f32 v11, v3;
	v12 =	vmul.f32 v12, v4  }
0xd0: {  	v13 =	vmul.f32 v13, v6  }
0xd1: {  	v11 =	vmul.f32 v11, v7;
	v12 =	vmul.f32 v12, v8;
	_ =	sdelay $0x1  }
0xd2: {  	v11 =	vadd.f32 v12, v11;
	v12 =	vmul.f32 v13, v9;
	v13 =	vmul.f32 v14, v5  }
.Ltmp0:
0xd3: {  	(pc) =	sbr.rel @p0 .LBB2_4-.Ltmp0, $4  }
0xd4: {  	v11 =	vadd.f32 v12, v11;
	v12 =	vmul.f32 v13, v10  }
0xd5: {  	s0 =	sadd.s32 $0x80, s0;
	s13 =	sand.u32 $0x80, s31;
	s31 =	smov.u32 s3  }
0xd6: {  	s9 =	sand.u32 $0x70, s3;
	s14 =	sadd.s32 s13, s30;
	s2 =	sand.u32 $0x400, s0;
	v11 =	vadd.f32 v12, v11  }
0xd7: {  	s3 =	sadd.s32 $0x10, s3;
	s14 =	sadd.s32 s15, s14;
	s13 =	sadd.s32 s2, s28  }
0xd8: {  	s0 =	sadd.s32 s9, s13;
	s3 =	sadd.s32 s2, s26;
	[tilespmem:s14+$0x0] =	vst v11  }
0xd9: {  	s26 =	sadd.s32 s2, s25;
	v11 =	vld [tilespmem:s0+$0x0];
	s15 =	sadd.s32 s9, s3  }
0xda: {  	s28 =	sadd.s32 s9, s26;
	v12 =	vld [tilespmem:s15+$0x0]  }
0xdb: {  	v13 =	vld [tilespmem:s28+$0x0]  }
0xdc: {  	s29 =	sadd.s32 s2, s29  }
0xdd: {  	s0 =	sadd.s32 s9, s29  }
0xde: {  	v14 =	vld [tilespmem:s0+$0x0]  }
0xdf: {  	v3 =	vmul.f32 v11, v3;
	v4 =	vmul.f32 v12, v4  }
0xe0: {  	v6 =	vmul.f32 v13, v6  }
0xe1: {  	v3 =	vmul.f32 v3, v7;
	v4 =	vmul.f32 v4, v8;
	_ =	sdelay $0x1  }
0xe2: {  	s24 =	sadd.s32 $0x1, s24;
	v5 =	vmul.f32 v14, v5;
	v62 =	vmul.f32 v6, v9;
	v3 =	vadd.f32 v4, v3  }
0xe3: {  	p0 =	sne.s32 s24, $0x31  }
.Ltmp1:
0xe4: {  	v63 =	vmul.f32 v5, v10;
	v3 =	vadd.f32 v62, v3;
	(pc) =	sbr.rel @p0 .LBB2_3-.Ltmp1, $4  }
0xe5: {  	s31 =	sand.u32 $0x80, s31  }
0xe6: {  	s0 =	sadd.s32 s31, s30;
	v3 =	vadd.f32 v63, v3  }
0xe7: {  	s0 =	sadd.s32 s9, s0  }
0xe8: {  	[tilespmem:s0+$0x0] =	vst v3  }
0xe9: {  	s0 =	smul.u32 $0x18800, s21;
	_ =	sdelay $0x1  }
0xea: {  	s20 =	sadd.s32 $0x1, s20;
	s0 =	sor.u32 s22, s0  }
0xeb: {  	p0 =	sne.s32 s20, $0x20;
	s0 =	sshrl.u32 s0, $0x3  }
.Ltmp2:
0xec: {  	s0 =	sadd.s32 s7, s0;
	(pc) =	sbr.rel @p0 .LBB2_2-.Ltmp2, $4  }
0xed: {  	[hbm4b:s0+s10] =	stream.strided.scatter [tilespmem:s19], [sflag:$0x2], $0x3100, s11, s10, $0x38;
	[tilespmem:$0x11300] =	vst v63  }
0xee: {  	_ =	swait.ge [sflag:s12], $0x3100  }
0xef: {  	[sflag:s12] =	ssyncset.done $0x0  }
0xf0: {  	[sflag:s12] =	ssyncadd.s32 $0xFFFFCF00  }
0xf1: {  	s13 =	rddreg [dreg:$0x3]  }
0xf2: {  	s0 =	rddreg [dreg:$0x4];
	s13 =	sadd.s32 $0x1, s13  }
0xf3: {  	p0 =	sne.s32 s13, s0  }
.Ltmp3:
0xf4: {  	_ = 	snop;
	(pc) =	sbr.rel @p0 .LBB2_1-.Ltmp3, $1  }
0xf5: {  	_ =	sdelay $0x3  }
0xf6: {  	_ =	sfence.sel $0x180000  }
0xf7: {  	[bflag:$0x0] =	sbarrier.arrive $0xFFFF  }
0xf8: {  	_ =	strace $0x90000047  }
0xf9: {  	s0 =	stileid.u32;
	[bflag:$0x2] =	sbarrier.arrive $0xFFFF  }
0xfa: {  	p0 =	sne.s32 s0, $0x0;
	s0 =	rddreg [dreg:$0x2]  }
0xfb: {  	s0 =	sadd.s32 @!p0 $0x100000, s0  }
0xfc: {  	[sflag:s0] =	ssyncadd.tile.s32 @!p0 $0x1;
	_ =	shalt  }
.Lfunc_end2:
_tile_overlayer_lowered:
.L_overlay_start_2:
0xfd: {  	(tag) =	ssettag $0x2  }
0xfe: {  	s0 =	rddreg [dreg:$0x0];
	s2 =	stileid.u32  }
0xff: {  	s1 =	rddreg [dreg:$0x1];
	p0 =	sne.s32 s2, $0x0  }
0x100: {  	s3 =	rddreg [dreg:$0x2];
	[bflag:$0x3] =	sbarrier.arrive $0xFFFF;
	s2 =	simm.s32 @!p0 $0x1C02  }
0x101: {  	[timem:s3], [sflag:s2] =	dma.local @!p0 [hbm:s0], s1  }
0x102: {  	s0 =	simm.s32 @!p0 $0x2  }
0x103: {  	_ =	swait.ge @!p0 [sflag:s0], s1  }
0x104: {  	s1 =	ssub.s32 @!p0 $0x0, s1;
	[sflag:s0] =	ssyncset.done @!p0 $0x0  }
0x105: {  	[sflag:s0] =	ssyncadd.s32 @!p0 s1  }
0x106: {  	[bflag:$0x3] =	sbarrier.arrive $0xFFFF  }
0x107: {  	_ =	shalt  }

</sc_bundles>
